<compile_context>
chip_gen: v7x
topology: tpu7x:2x2x1
jax: 0.10.2.dev20260603
libtpu: 0.0.44.dev20260713+nightly
codegen_flags: <defaults>
</compile_context>

<pallas_src>
import functools

import jax
import jax.numpy as jnp
from jax import lax
from jax.experimental import pallas as pl
from jax.experimental.pallas import tpu as pltpu
from jax.experimental.pallas import tpu_sc as plsc

_NC = 2
_NS = 16
_NW = _NC * _NS

_CHUNK = 64
_NBUF = 4



def _gidx_body(n, off, et_ref, src_ref, o_ref):
    o_ref[...] = et_ref[...] * n + src_ref[...] + off


def _flat_gather_index(etypes, src, n, off):
    e = etypes.shape[0]
    cols = 512
    rows = e // cols
    et2 = etypes.reshape(rows, cols)
    src2 = src.reshape(rows, cols)
    out = pl.pallas_call(
        functools.partial(_gidx_body, n, off),
        out_shape=jax.ShapeDtypeStruct((rows, cols), jnp.int32),
    )(et2, src2)
    return out.reshape(e)


def _compose_body(wc_ref, wb_ref, o_ref):
    o_ref[...] = jnp.dot(wc_ref[...], wb_ref[...],
                         preferred_element_type=jnp.float32)


def _compose_w(wc, wb):
    b, d, _ = wb.shape
    r = wc.shape[0]
    wb_flat = wb.reshape(b, d * d)
    cols = 2048
    grid = (d * d // cols,)
    out = pl.pallas_call(
        _compose_body,
        grid=grid,
        in_specs=[
            pl.BlockSpec((r, b), lambda i: (0, 0)),
            pl.BlockSpec((b, cols), lambda i: (0, i)),
        ],
        out_specs=pl.BlockSpec((r, cols), lambda i: (0, i)),
        out_shape=jax.ShapeDtypeStruct((r, d * d), jnp.float32),
    )(wc, wb_flat)
    return out.reshape(r, d, d)


def _transform_body(h_ref, w_ref, o_ref):
    g = pl.program_id(0)

    @pl.when(g == 0)
    def _():
        o_ref[...] = jnp.zeros_like(o_ref)

    @pl.when(g > 0)
    def _():
        o_ref[...] = jnp.dot(h_ref[...], w_ref[0],
                             preferred_element_type=jnp.float32)


def _transform(h, w, nbk):
    n, d = h.shape
    r = w.shape[0]
    nb = n // nbk
    grid = (r * nb + 1,)
    out = pl.pallas_call(
        _transform_body,
        grid=grid,
        in_specs=[
            pl.BlockSpec((nbk, d),
                         lambda g: (jnp.maximum(g - 1, 0) // r, 0)),
            pl.BlockSpec((1, d, d),
                         lambda g: (jnp.maximum(g - 1, 0) % r, 0, 0)),
        ],
        out_specs=pl.BlockSpec(
            (nbk, d),
            lambda g: (jnp.where(g == 0, 0,
                                 1 + (jnp.maximum(g - 1, 0) % r) * nb
                                 + jnp.maximum(g - 1, 0) // r), 0)),
        out_shape=jax.ShapeDtypeStruct(((r * n) + nbk, d), jnp.float32),
    )(h, w)
    return out


def _combine_body(part_ref, h_ref, lw_ref, b_ref, o_ref):
    loop = jnp.dot(h_ref[...], lw_ref[...], preferred_element_type=jnp.float32)
    o_ref[...] = jnp.maximum(part_ref[0] + part_ref[1] + loop + b_ref[...], 0.0)


def _combine(part, h, loop_w, bias2d, nbk):
    n, d = h.shape
    nb = n // nbk
    return pl.pallas_call(
        _combine_body,
        grid=(nb,),
        in_specs=[
            pl.BlockSpec((2, nbk, d), lambda i: (0, i, 0)),
            pl.BlockSpec((nbk, d), lambda i: (i, 0)),
            pl.BlockSpec((d, d), lambda i: (0, 0)),
            pl.BlockSpec((1, d), lambda i: (0, 0)),
        ],
        out_specs=pl.BlockSpec((nbk, d), lambda i: (i, 0)),
        out_shape=jax.ShapeDtypeStruct((n, d), jnp.float32),
    )(part, h, loop_w, bias2d)



def _make_edge_agg(n, d, ep):
    epw = ep // _NW
    nchunk = epw // _CHUNK
    cpb = 32
    nblk = nchunk // cpb
    npt = (n // _NS) // 8 * 8
    rem = n - _NS * npt

    mesh = plsc.VectorSubcoreMesh(core_axis_name="c", subcore_axis_name="s")

    @functools.partial(
        pl.kernel,
        out_type=jax.ShapeDtypeStruct((_NC, n, d), jnp.float32),
        mesh=mesh,
        scratch_types=[
            pltpu.VMEM((cpb, _CHUNK), jnp.int32),
            pltpu.VMEM((cpb, _CHUNK), jnp.int32),
            [pltpu.VMEM((_CHUNK, d), jnp.float32) for _ in range(_NBUF)],
            pltpu.VMEM_SHARED((n, d), jnp.float32),
            [pltpu.SemaphoreType.DMA for _ in range(_NBUF)],
        ],
    )
    def edge_agg(hw_hbm, gidx_hbm, dst_hbm, out_hbm,
                 idx_v, dst_v, rows, acc_v, sems):
        c = lax.axis_index("c")
        s = lax.axis_index("s")
        wid = s * _NC + c

        pltpu.sync_copy(hw_hbm.at[pl.ds(0, npt)],
                        acc_v.at[pl.ds(s * npt, npt)])
        if rem:
            @pl.when(s == _NS - 1)
            def _():
                pltpu.sync_copy(hw_hbm.at[pl.ds(0, rem)],
                                acc_v.at[pl.ds(_NS * npt, rem)])
        plsc.subcore_barrier()

        def block(k, carry):
            pltpu.sync_copy(gidx_hbm.at[wid, pl.ds(k * cpb, cpb)], idx_v)
            pltpu.sync_copy(dst_hbm.at[wid, pl.ds(k * cpb, cpb)], dst_v)
            for u in range(_NBUF - 1):
                pltpu.async_copy(hw_hbm.at[idx_v.at[u]], rows[u], sems[u])

            def group(g2, c2):
                base = g2 * _NBUF
                for u in range(_NBUF):
                    j = base + u
                    nxt = (u + _NBUF - 1) % _NBUF

                    @pl.when(j + _NBUF - 1 < cpb)
                    def _():
                        pltpu.async_copy(hw_hbm.at[idx_v.at[j + _NBUF - 1]],
                                         rows[nxt], sems[nxt])

                    pltpu.make_async_copy(hw_hbm.at[idx_v.at[j]], rows[u],
                                          sems[u]).wait()
                    pltpu.sync_copy(rows[u], acc_v.at[dst_v.at[j]], add=True)
                return c2

            lax.fori_loop(0, cpb // _NBUF, group, 0)
            return carry

        lax.fori_loop(0, nblk, block, 0)

        plsc.subcore_barrier()
        pltpu.sync_copy(acc_v.at[pl.ds(s * npt, npt)],
                        out_hbm.at[c, pl.ds(s * npt, npt)])
        if rem:
            @pl.when(s == _NS - 1)
            def _():
                pltpu.sync_copy(acc_v.at[pl.ds(_NS * npt, rem)],
                                out_hbm.at[c, pl.ds(_NS * npt, rem)])

    return edge_agg



def _layer(h, gidx3, dst3, wb, wc, loop_w, bias2d, edge_agg, nbk):
    w = _compose_w(wc, wb)
    hw = _transform(h, w, nbk)
    part = edge_agg(hw, gidx3, dst3)
    return _combine(part, h, loop_w, bias2d, nbk)


def kernel(features, edge_index, etypes, Wb1, wc1, loopW1, b1,
           Wb2, wc2, loopW2, b2):
    n, d = features.shape
    e = etypes.shape[0]
    src = edge_index[0]
    dst = edge_index[1]

    nbk = 5000
    cpb = 32
    epw = -(-(e // _NW) // (_CHUNK * cpb)) * (_CHUNK * cpb)
    ep = epw * _NW
    npad = ep - e

    gidx = _flat_gather_index(etypes, src, n, nbk)
    padg = jnp.arange(npad, dtype=jnp.int32) % nbk
    padd = jnp.arange(npad, dtype=jnp.int32) % n
    gidx3 = jnp.concatenate([gidx, padg]).reshape(_NW, -1, _CHUNK)
    dst3 = jnp.concatenate([dst, padd]).reshape(_NW, -1, _CHUNK)

    edge_agg = _make_edge_agg(n, d, ep)

    h1 = _layer(features, gidx3, dst3, Wb1, wc1, loopW1,
                b1.reshape(1, d), edge_agg, nbk)
    h2 = _layer(h1, gidx3, dst3, Wb2, wc2, loopW2,
                b2.reshape(1, d), edge_agg, nbk)
    return h2

# --- scband reference (transcript-rebuilt; emitter-appended) ---
"""Pipeline reference for scband-rgcn-54082228191478 (READ-ONLY COPY).

The authoritative reference and input builder live on the scoring server;
editing this copy changes nothing except your own understanding.
"""

import jax, jax.numpy as jnp
import numpy as np

N = 10000
E = 320000
D = 128
R = 8
B = 8  # num_bases == num_rels (DGL default for basis regularizer)


def setup_inputs(seed: int = 0) -> dict:
    key = jax.random.key(seed)
    ks = jax.random.split(key, 12)
    x = jax.random.normal(ks[0], (N, D), dtype=jnp.float32)
    edge_index = jax.random.randint(ks[1], (2, E), 0, N, dtype=jnp.int32)
    etypes = jax.random.randint(ks[2], (E,), 0, R, dtype=jnp.int32)
    s = 1.0 / np.sqrt(D)
    Wb1 = jax.random.normal(ks[3], (B, D, D), dtype=jnp.float32) * s
    wc1 = jax.random.normal(ks[4], (R, B), dtype=jnp.float32) * (1.0 / np.sqrt(B))
    loopW1 = jax.random.normal(ks[5], (D, D), dtype=jnp.float32) * s
    b1 = jnp.zeros((D,), dtype=jnp.float32)
    Wb2 = jax.random.normal(ks[6], (B, D, D), dtype=jnp.float32) * s
    wc2 = jax.random.normal(ks[7], (R, B), dtype=jnp.float32) * (1.0 / np.sqrt(B))
    loopW2 = jax.random.normal(ks[8], (D, D), dtype=jnp.float32) * s
    b2 = jnp.zeros((D,), dtype=jnp.float32)
    return {"features": x, "edge_index": edge_index, "etypes": etypes,
            "Wb1": Wb1, "wc1": wc1, "loopW1": loopW1, "b1": b1,
            "Wb2": Wb2, "wc2": wc2, "loopW2": loopW2, "b2": b2}


def _rel_graph_conv(h, src, dst, etypes, Wb, wc, loopW, b):
    # basis decomposition: W[r] = sum_b wc[r,b] * Wb[b]
    W = jnp.einsum('rb,bio->rio', wc, Wb)            # [R, D, D]
    # transform all node features under every relation, then gather per edge
    hW = jnp.einsum('nd,rde->rne', h, W)             # [R, N, D]
    msg = hW[etypes, src]                            # [E, D] gather
    agg = jax.ops.segment_sum(msg, dst, num_segments=N)  # scatter-add by dst
    out = agg + h @ loopW + b                        # self-loop + bias
    return jax.nn.relu(out)                          # activation (dropout omitted: eval mode)


def reference(features, edge_index, etypes, Wb1, wc1, loopW1, b1, Wb2, wc2, loopW2, b2):
    src = edge_index[0]
    dst = edge_index[1]
    h = _rel_graph_conv(features, src, dst, etypes, Wb1, wc1, loopW1, b1)
    h = _rel_graph_conv(h, src, dst, etypes, Wb2, wc2, loopW2, b2)
    return h

if __name__ == "__main__":
    import jax
    _d = setup_inputs()
    print(jax.jit(kernel)(*tuple(_d.values())))

</pallas_src>

<mosaic_0001>
#map = affine_map<(d0, d1) -> (0, 0)>
#map1 = affine_map<(d0, d1) -> (0, 0, 0)>
module attributes {stable_mosaic.version = 14 : i64} {
  func.func @edge_agg(%arg0: i32, %arg1: i32, %arg2: memref<85000x128xf32, #tpu.memory_space<hbm>>, %arg3: memref<32x160x64xi32, #tpu.memory_space<hbm>>, %arg4: memref<32x160x64xi32, #tpu.memory_space<hbm>>, %arg5: memref<2x10000x128xf32, #tpu.memory_space<hbm>>, %arg6: memref<32x64xi32, #tpu.memory_space<vmem>>, %arg7: memref<32x64xi32, #tpu.memory_space<vmem>>, %arg8: memref<64x128xf32, #tpu.memory_space<vmem>>, %arg9: memref<64x128xf32, #tpu.memory_space<vmem>>, %arg10: memref<64x128xf32, #tpu.memory_space<vmem>>, %arg11: memref<64x128xf32, #tpu.memory_space<vmem>>, %arg12: memref<10000x128xf32, #tpu.memory_space<vmem_shared>>, %arg13: memref<!tpu.dma_semaphore, #tpu.memory_space<semaphore_mem>>, %arg14: memref<!tpu.dma_semaphore, #tpu.memory_space<semaphore_mem>>, %arg15: memref<!tpu.dma_semaphore, #tpu.memory_space<semaphore_mem>>, %arg16: memref<!tpu.dma_semaphore, #tpu.memory_space<semaphore_mem>>) attributes {dimension_semantics = [#tpu.dimension_semantics<core_parallel>, #tpu.dimension_semantics<subcore_parallel>], iteration_bounds = array<i64: 2, 16>, scalar_prefetch = 0 : i64, scratch_operands = 11 : i64, tpu.core_type = #tpu.core_type<sc_vector_subcore>, window_params = [{transform_indices = #map}, {transform_indices = #map1}, {transform_indices = #map1}, {transform_indices = #map1}]} {
    %mul3A = arith.constant 2 : i32
    %mul3A_0 = arith.muli %arg1, %mul3A : i32
    %add3A = arith.addi %mul3A_0, %arg0 : i32
    %mul3A_1 = arith.constant 624 : i32
    %mul3A_2 = arith.muli %arg1, %mul3A_1 : i32
    "tpu.region"() ({
      %run_scoped3A = tpu.sem_alloc : memref<!tpu.dma_semaphore, #tpu.memory_space<semaphore_mem>>
      %dma_start3A = arith.constant 0 : i32
      %dma_start3A_20 = tpu.memref_slice %arg12[%mul3A_2, %dma_start3A] : memref<10000x128xf32, #tpu.memory_space<vmem_shared>> -> memref<624x128xf32, #tpu.memory_space<vmem_shared>>
      %dma_start3A_21 = arith.constant 0 : i32
      %dma_start3A_22 = arith.constant 0 : i32
      %dma_start3A_23 = tpu.memref_slice %arg2[%dma_start3A_21, %dma_start3A_22] : memref<85000x128xf32, #tpu.memory_space<hbm>> -> memref<624x128xf32, #tpu.memory_space<hbm>>
      tpu.enqueue_dma source(%dma_start3A_23 : memref<624x128xf32, #tpu.memory_space<hbm>>) target(%dma_start3A_20 : memref<624x128xf32, #tpu.memory_space<vmem_shared>>) target_semaphore(%run_scoped3A : memref<!tpu.dma_semaphore, #tpu.memory_space<semaphore_mem>>)
      %dma_wait3A = arith.constant 0 : i32
      %dma_wait3A_24 = tpu.memref_slice %arg12[%mul3A_2, %dma_wait3A] : memref<10000x128xf32, #tpu.memory_space<vmem_shared>> -> memref<624x128xf32, #tpu.memory_space<vmem_shared>>
      %dma_wait3A_25 = arith.constant 0 : i32
      %dma_wait3A_26 = arith.constant 0 : i32
      %dma_wait3A_27 = tpu.memref_slice %arg2[%dma_wait3A_25, %dma_wait3A_26] : memref<85000x128xf32, #tpu.memory_space<hbm>> -> memref<624x128xf32, #tpu.memory_space<hbm>>
      tpu.wait_dma2 semaphore(%run_scoped3A : memref<!tpu.dma_semaphore, #tpu.memory_space<semaphore_mem>>) src(%dma_wait3A_27 : memref<624x128xf32, #tpu.memory_space<hbm>>) dst(%dma_wait3A_24 : memref<624x128xf32, #tpu.memory_space<vmem_shared>>)
      tpu.yield
    }) : () -> ()
    %eq3A = arith.constant 15 : i32
    %eq3A_3 = arith.cmpi eq, %arg1, %eq3A : i32
    %convert_element_type3A = arith.extui %eq3A_3 : i1 to i32
    %cond3A = arith.constant 0 : i32
    %cond3A_4 = arith.cmpi ne, %convert_element_type3A, %cond3A : i32
    scf.if %cond3A_4 {
      "tpu.region"() ({
        %run_scoped3A = tpu.sem_alloc : memref<!tpu.dma_semaphore, #tpu.memory_space<semaphore_mem>>
        %dma_start3A = arith.constant 9984 : i32
        %dma_start3A_20 = arith.constant 0 : i32
        %dma_start3A_21 = tpu.memref_slice %arg12[%dma_start3A, %dma_start3A_20] : memref<10000x128xf32, #tpu.memory_space<vmem_shared>> -> memref<16x128xf32, #tpu.memory_space<vmem_shared>>
        %dma_start3A_22 = arith.constant 0 : i32
        %dma_start3A_23 = arith.constant 0 : i32
        %dma_start3A_24 = tpu.memref_slice %arg2[%dma_start3A_22, %dma_start3A_23] : memref<85000x128xf32, #tpu.memory_space<hbm>> -> memref<16x128xf32, #tpu.memory_space<hbm>>
        tpu.enqueue_dma source(%dma_start3A_24 : memref<16x128xf32, #tpu.memory_space<hbm>>) target(%dma_start3A_21 : memref<16x128xf32, #tpu.memory_space<vmem_shared>>) target_semaphore(%run_scoped3A : memref<!tpu.dma_semaphore, #tpu.memory_space<semaphore_mem>>)
        %dma_wait3A = arith.constant 9984 : i32
        %dma_wait3A_25 = arith.constant 0 : i32
        %dma_wait3A_26 = tpu.memref_slice %arg12[%dma_wait3A, %dma_wait3A_25] : memref<10000x128xf32, #tpu.memory_space<vmem_shared>> -> memref<16x128xf32, #tpu.memory_space<vmem_shared>>
        %dma_wait3A_27 = arith.constant 0 : i32
        %dma_wait3A_28 = arith.constant 0 : i32
        %dma_wait3A_29 = tpu.memref_slice %arg2[%dma_wait3A_27, %dma_wait3A_28] : memref<85000x128xf32, #tpu.memory_space<hbm>> -> memref<16x128xf32, #tpu.memory_space<hbm>>
        tpu.wait_dma2 semaphore(%run_scoped3A : memref<!tpu.dma_semaphore, #tpu.memory_space<semaphore_mem>>) src(%dma_wait3A_29 : memref<16x128xf32, #tpu.memory_space<hbm>>) dst(%dma_wait3A_26 : memref<16x128xf32, #tpu.memory_space<vmem_shared>>)
        tpu.yield
      }) : () -> ()
    } else {
    }
    %barrier3A = arith.constant 0 : index
    tpu.barrier barrier_id(%barrier3A)
    %scan3A = arith.constant 0 : i32
    %scan3A_5 = arith.constant 0 : i32
    %scan3A_6 = arith.constant 5 : i32
    %scan3A_7 = arith.addi %scan3A_5, %scan3A_6 : i32
    %scan3A_8 = arith.constant 1 : i32
    scf.for %scan3A_20 = %scan3A_5 to %scan3A_7 step %scan3A_8  : i32 {
      %mul3A_21 = arith.constant 32 : i32
      %mul3A_22 = arith.muli %scan3A_20, %mul3A_21 : i32
      "tpu.region"() ({
        %run_scoped3A = tpu.sem_alloc : memref<!tpu.dma_semaphore, #tpu.memory_space<semaphore_mem>>
        %dma_start3A_51 = arith.constant 0 : i32
        %dma_start3A_52 = tpu.memref_slice %arg3[%add3A, %mul3A_22, %dma_start3A_51] : memref<32x160x64xi32, #tpu.memory_space<hbm>> -> memref<1x32x64xi32, #tpu.memory_space<hbm>>
        %dma_start3A_53 = tpu.memref_squeeze %dma_start3A_52 : memref<1x32x64xi32, #tpu.memory_space<hbm>> -> memref<32x64xi32, #tpu.memory_space<hbm>>
        %dma_start3A_54 = arith.constant 0 : i32
        %dma_start3A_55 = tpu.memref_slice %arg3[%add3A, %mul3A_22, %dma_start3A_54] : memref<32x160x64xi32, #tpu.memory_space<hbm>> -> memref<1x32x64xi32, #tpu.memory_space<hbm>>
        %dma_start3A_56 = tpu.memref_squeeze %dma_start3A_55 : memref<1x32x64xi32, #tpu.memory_space<hbm>> -> memref<32x64xi32, #tpu.memory_space<hbm>>
        tpu.enqueue_dma source(%dma_start3A_56 : memref<32x64xi32, #tpu.memory_space<hbm>>) target(%arg6 : memref<32x64xi32, #tpu.memory_space<vmem>>) target_semaphore(%run_scoped3A : memref<!tpu.dma_semaphore, #tpu.memory_space<semaphore_mem>>)
        %dma_wait3A = arith.constant 0 : i32
        %dma_wait3A_57 = tpu.memref_slice %arg3[%add3A, %mul3A_22, %dma_wait3A] : memref<32x160x64xi32, #tpu.memory_space<hbm>> -> memref<1x32x64xi32, #tpu.memory_space<hbm>>
        %dma_wait3A_58 = tpu.memref_squeeze %dma_wait3A_57 : memref<1x32x64xi32, #tpu.memory_space<hbm>> -> memref<32x64xi32, #tpu.memory_space<hbm>>
        %dma_wait3A_59 = arith.constant 0 : i32
        %dma_wait3A_60 = tpu.memref_slice %arg3[%add3A, %mul3A_22, %dma_wait3A_59] : memref<32x160x64xi32, #tpu.memory_space<hbm>> -> memref<1x32x64xi32, #tpu.memory_space<hbm>>
        %dma_wait3A_61 = tpu.memref_squeeze %dma_wait3A_60 : memref<1x32x64xi32, #tpu.memory_space<hbm>> -> memref<32x64xi32, #tpu.memory_space<hbm>>
        tpu.wait_dma2 semaphore(%run_scoped3A : memref<!tpu.dma_semaphore, #tpu.memory_space<semaphore_mem>>) src(%dma_wait3A_61 : memref<32x64xi32, #tpu.memory_space<hbm>>) dst(%arg6 : memref<32x64xi32, #tpu.memory_space<vmem>>)
        tpu.yield
      }) : () -> ()
      %mul3A_23 = arith.constant 32 : i32
      %mul3A_24 = arith.muli %scan3A_20, %mul3A_23 : i32
      "tpu.region"() ({
        %run_scoped3A = tpu.sem_alloc : memref<!tpu.dma_semaphore, #tpu.memory_space<semaphore_mem>>
        %dma_start3A_51 = arith.constant 0 : i32
        %dma_start3A_52 = tpu.memref_slice %arg4[%add3A, %mul3A_24, %dma_start3A_51] : memref<32x160x64xi32, #tpu.memory_space<hbm>> -> memref<1x32x64xi32, #tpu.memory_space<hbm>>
        %dma_start3A_53 = tpu.memref_squeeze %dma_start3A_52 : memref<1x32x64xi32, #tpu.memory_space<hbm>> -> memref<32x64xi32, #tpu.memory_space<hbm>>
        %dma_start3A_54 = arith.constant 0 : i32
        %dma_start3A_55 = tpu.memref_slice %arg4[%add3A, %mul3A_24, %dma_start3A_54] : memref<32x160x64xi32, #tpu.memory_space<hbm>> -> memref<1x32x64xi32, #tpu.memory_space<hbm>>
        %dma_start3A_56 = tpu.memref_squeeze %dma_start3A_55 : memref<1x32x64xi32, #tpu.memory_space<hbm>> -> memref<32x64xi32, #tpu.memory_space<hbm>>
        tpu.enqueue_dma source(%dma_start3A_56 : memref<32x64xi32, #tpu.memory_space<hbm>>) target(%arg7 : memref<32x64xi32, #tpu.memory_space<vmem>>) target_semaphore(%run_scoped3A : memref<!tpu.dma_semaphore, #tpu.memory_space<semaphore_mem>>)
        %dma_wait3A = arith.constant 0 : i32
        %dma_wait3A_57 = tpu.memref_slice %arg4[%add3A, %mul3A_24, %dma_wait3A] : memref<32x160x64xi32, #tpu.memory_space<hbm>> -> memref<1x32x64xi32, #tpu.memory_space<hbm>>
        %dma_wait3A_58 = tpu.memref_squeeze %dma_wait3A_57 : memref<1x32x64xi32, #tpu.memory_space<hbm>> -> memref<32x64xi32, #tpu.memory_space<hbm>>
        %dma_wait3A_59 = arith.constant 0 : i32
        %dma_wait3A_60 = tpu.memref_slice %arg4[%add3A, %mul3A_24, %dma_wait3A_59] : memref<32x160x64xi32, #tpu.memory_space<hbm>> -> memref<1x32x64xi32, #tpu.memory_space<hbm>>
        %dma_wait3A_61 = tpu.memref_squeeze %dma_wait3A_60 : memref<1x32x64xi32, #tpu.memory_space<hbm>> -> memref<32x64xi32, #tpu.memory_space<hbm>>
        tpu.wait_dma2 semaphore(%run_scoped3A : memref<!tpu.dma_semaphore, #tpu.memory_space<semaphore_mem>>) src(%dma_wait3A_61 : memref<32x64xi32, #tpu.memory_space<hbm>>) dst(%arg7 : memref<32x64xi32, #tpu.memory_space<vmem>>)
        tpu.yield
      }) : () -> ()
      %dma_start3A = arith.constant 0 : i32
      %dma_start3A_25 = arith.constant 0 : i32
      %dma_start3A_26 = tpu.memref_slice %arg6[%dma_start3A, %dma_start3A_25] : memref<32x64xi32, #tpu.memory_space<vmem>> -> memref<1x64xi32, #tpu.memory_space<vmem>>
      %dma_start3A_27 = tpu.memref_squeeze %dma_start3A_26 : memref<1x64xi32, #tpu.memory_space<vmem>> -> memref<64xi32, #tpu.memory_space<vmem>>
      %dma_start3A_28 = arith.constant 0 : i32
      %dma_start3A_29 = arith.constant 0 : i32
      %dma_start3A_30 = tpu.memref_slice %arg2[%dma_start3A_28, %dma_start3A_29] : memref<85000x128xf32, #tpu.memory_space<hbm>> -> memref<85000x128xf32, #tpu.memory_space<hbm>>
      tpu.enqueue_indirect_dma source(%dma_start3A_30 : memref<85000x128xf32, #tpu.memory_space<hbm>>) target(%arg8 : memref<64x128xf32, #tpu.memory_space<vmem>>) offsets(%dma_start3A_27 : memref<64xi32, #tpu.memory_space<vmem>>) semaphore(%arg13 : memref<!tpu.dma_semaphore, #tpu.memory_space<semaphore_mem>>)
      %dma_start3A_31 = arith.constant 1 : i32
      %dma_start3A_32 = arith.constant 0 : i32
      %dma_start3A_33 = tpu.memref_slice %arg6[%dma_start3A_31, %dma_start3A_32] : memref<32x64xi32, #tpu.memory_space<vmem>> -> memref<1x64xi32, #tpu.memory_space<vmem>>
      %dma_start3A_34 = tpu.memref_squeeze %dma_start3A_33 : memref<1x64xi32, #tpu.memory_space<vmem>> -> memref<64xi32, #tpu.memory_space<vmem>>
      %dma_start3A_35 = arith.constant 0 : i32
      %dma_start3A_36 = arith.constant 0 : i32
      %dma_start3A_37 = tpu.memref_slice %arg2[%dma_start3A_35, %dma_start3A_36] : memref<85000x128xf32, #tpu.memory_space<hbm>> -> memref<85000x128xf32, #tpu.memory_space<hbm>>
      tpu.enqueue_indirect_dma source(%dma_start3A_37 : memref<85000x128xf32, #tpu.memory_space<hbm>>) target(%arg9 : memref<64x128xf32, #tpu.memory_space<vmem>>) offsets(%dma_start3A_34 : memref<64xi32, #tpu.memory_space<vmem>>) semaphore(%arg14 : memref<!tpu.dma_semaphore, #tpu.memory_space<semaphore_mem>>)
      %dma_start3A_38 = arith.constant 2 : i32
      %dma_start3A_39 = arith.constant 0 : i32
      %dma_start3A_40 = tpu.memref_slice %arg6[%dma_start3A_38, %dma_start3A_39] : memref<32x64xi32, #tpu.memory_space<vmem>> -> memref<1x64xi32, #tpu.memory_space<vmem>>
      %dma_start3A_41 = tpu.memref_squeeze %dma_start3A_40 : memref<1x64xi32, #tpu.memory_space<vmem>> -> memref<64xi32, #tpu.memory_space<vmem>>
      %dma_start3A_42 = arith.constant 0 : i32
      %dma_start3A_43 = arith.constant 0 : i32
      %dma_start3A_44 = tpu.memref_slice %arg2[%dma_start3A_42, %dma_start3A_43] : memref<85000x128xf32, #tpu.memory_space<hbm>> -> memref<85000x128xf32, #tpu.memory_space<hbm>>
      tpu.enqueue_indirect_dma source(%dma_start3A_44 : memref<85000x128xf32, #tpu.memory_space<hbm>>) target(%arg10 : memref<64x128xf32, #tpu.memory_space<vmem>>) offsets(%dma_start3A_41 : memref<64xi32, #tpu.memory_space<vmem>>) semaphore(%arg15 : memref<!tpu.dma_semaphore, #tpu.memory_space<semaphore_mem>>)
      %scan3A_45 = arith.constant 0 : i32
      %scan3A_46 = arith.constant 0 : i32
      %scan3A_47 = arith.constant 8 : i32
      %scan3A_48 = arith.addi %scan3A_46, %scan3A_47 : i32
      %scan3A_49 = arith.constant 1 : i32
      scf.for %scan3A_51 = %scan3A_46 to %scan3A_48 step %scan3A_49  : i32 {
        %mul3A_52 = arith.constant 4 : i32
        %mul3A_53 = arith.muli %scan3A_51, %mul3A_52 : i32
        %add3A_54 = arith.constant 0 : i32
        %add3A_55 = arith.addi %mul3A_53, %add3A_54 : i32
        %add3A_56 = arith.constant 4 : i32
        %add3A_57 = arith.addi %add3A_55, %add3A_56 : i32
        %sub3A = arith.constant 1 : i32
        %sub3A_58 = arith.subi %add3A_57, %sub3A : i32
        %lt3A = arith.constant 32 : i32
        %lt3A_59 = arith.cmpi slt, %sub3A_58, %lt3A : i32
        %convert_element_type3A_60 = arith.extui %lt3A_59 : i1 to i32
        %cond3A_61 = arith.constant 0 : i32
        %cond3A_62 = arith.cmpi ne, %convert_element_type3A_60, %cond3A_61 : i32
        scf.if %cond3A_62 {
          %add3A_119 = arith.constant 4 : i32
          %add3A_120 = arith.addi %add3A_55, %add3A_119 : i32
          %sub3A_121 = arith.constant 1 : i32
          %sub3A_122 = arith.subi %add3A_120, %sub3A_121 : i32
          %dma_start3A_123 = arith.constant 0 : i32
          %dma_start3A_124 = tpu.memref_slice %arg6[%sub3A_122, %dma_start3A_123] : memref<32x64xi32, #tpu.memory_space<vmem>> -> memref<1x64xi32, #tpu.memory_space<vmem>>
          %dma_start3A_125 = tpu.memref_squeeze %dma_start3A_124 : memref<1x64xi32, #tpu.memory_space<vmem>> -> memref<64xi32, #tpu.memory_space<vmem>>
          %dma_start3A_126 = arith.constant 0 : i32
          %dma_start3A_127 = arith.constant 0 : i32
          %dma_start3A_128 = tpu.memref_slice %arg2[%dma_start3A_126, %dma_start3A_127] : memref<85000x128xf32, #tpu.memory_space<hbm>> -> memref<85000x128xf32, #tpu.memory_space<hbm>>
          tpu.enqueue_indirect_dma source(%dma_start3A_128 : memref<85000x128xf32, #tpu.memory_space<hbm>>) target(%arg11 : memref<64x128xf32, #tpu.memory_space<vmem>>) offsets(%dma_start3A_125 : memref<64xi32, #tpu.memory_space<vmem>>) semaphore(%arg16 : memref<!tpu.dma_semaphore, #tpu.memory_space<semaphore_mem>>)
        } else {
        }
        %dma_wait3A = arith.constant 0 : i32
        %dma_wait3A_63 = tpu.memref_slice %arg6[%add3A_55, %dma_wait3A] : memref<32x64xi32, #tpu.memory_space<vmem>> -> memref<1x64xi32, #tpu.memory_space<vmem>>
        %dma_wait3A_64 = tpu.memref_squeeze %dma_wait3A_63 : memref<1x64xi32, #tpu.memory_space<vmem>> -> memref<64xi32, #tpu.memory_space<vmem>>
        %dma_wait3A_65 = arith.constant 0 : i32
        %dma_wait3A_66 = arith.constant 0 : i32
        %dma_wait3A_67 = tpu.memref_slice %arg2[%dma_wait3A_65, %dma_wait3A_66] : memref<85000x128xf32, #tpu.memory_space<hbm>> -> memref<85000x128xf32, #tpu.memory_space<hbm>>
        tpu.wait_indirect_dma semaphore(%arg13 : memref<!tpu.dma_semaphore, #tpu.memory_space<semaphore_mem>>) src(%dma_wait3A_67 : memref<85000x128xf32, #tpu.memory_space<hbm>>) dst(%arg8 : memref<64x128xf32, #tpu.memory_space<vmem>>)
        "tpu.region"() ({
          %run_scoped3A = tpu.sem_alloc : memref<!tpu.dma_semaphore, #tpu.memory_space<semaphore_mem>>
          %dma_start3A_119 = arith.constant 0 : i32
          %dma_start3A_120 = tpu.memref_slice %arg7[%add3A_55, %dma_start3A_119] : memref<32x64xi32, #tpu.memory_space<vmem>> -> memref<1x64xi32, #tpu.memory_space<vmem>>
          %dma_start3A_121 = tpu.memref_squeeze %dma_start3A_120 : memref<1x64xi32, #tpu.memory_space<vmem>> -> memref<64xi32, #tpu.memory_space<vmem>>
          %dma_start3A_122 = arith.constant 0 : i32
          %dma_start3A_123 = arith.constant 0 : i32
          %dma_start3A_124 = tpu.memref_slice %arg12[%dma_start3A_122, %dma_start3A_123] : memref<10000x128xf32, #tpu.memory_space<vmem_shared>> -> memref<10000x128xf32, #tpu.memory_space<vmem_shared>>
          tpu.enqueue_indirect_dma source(%arg8 : memref<64x128xf32, #tpu.memory_space<vmem>>) target(%dma_start3A_124 : memref<10000x128xf32, #tpu.memory_space<vmem_shared>>) offsets(%dma_start3A_121 : memref<64xi32, #tpu.memory_space<vmem>>) semaphore(%run_scoped3A : memref<!tpu.dma_semaphore, #tpu.memory_space<semaphore_mem>>) {add = true}
          %dma_wait3A_125 = arith.constant 0 : i32
          %dma_wait3A_126 = tpu.memref_slice %arg7[%add3A_55, %dma_wait3A_125] : memref<32x64xi32, #tpu.memory_space<vmem>> -> memref<1x64xi32, #tpu.memory_space<vmem>>
          %dma_wait3A_127 = tpu.memref_squeeze %dma_wait3A_126 : memref<1x64xi32, #tpu.memory_space<vmem>> -> memref<64xi32, #tpu.memory_space<vmem>>
          %dma_wait3A_128 = arith.constant 0 : i32
          %dma_wait3A_129 = arith.constant 0 : i32
          %dma_wait3A_130 = tpu.memref_slice %arg12[%dma_wait3A_128, %dma_wait3A_129] : memref<10000x128xf32, #tpu.memory_space<vmem_shared>> -> memref<10000x128xf32, #tpu.memory_space<vmem_shared>>
          tpu.wait_indirect_dma semaphore(%run_scoped3A : memref<!tpu.dma_semaphore, #tpu.memory_space<semaphore_mem>>) src(%arg8 : memref<64x128xf32, #tpu.memory_space<vmem>>) dst(%dma_wait3A_130 : memref<10000x128xf32, #tpu.memory_space<vmem_shared>>)
          tpu.yield
        }) : () -> ()
        %add3A_68 = arith.constant 1 : i32
        %add3A_69 = arith.addi %mul3A_53, %add3A_68 : i32
        %add3A_70 = arith.constant 4 : i32
        %add3A_71 = arith.addi %add3A_69, %add3A_70 : i32
        %sub3A_72 = arith.constant 1 : i32
        %sub3A_73 = arith.subi %add3A_71, %sub3A_72 : i32
        %lt3A_74 = arith.constant 32 : i32
        %lt3A_75 = arith.cmpi slt, %sub3A_73, %lt3A_74 : i32
        %convert_element_type3A_76 = arith.extui %lt3A_75 : i1 to i32
        %cond3A_77 = arith.constant 0 : i32
        %cond3A_78 = arith.cmpi ne, %convert_element_type3A_76, %cond3A_77 : i32
        scf.if %cond3A_78 {
          %add3A_119 = arith.constant 4 : i32
          %add3A_120 = arith.addi %add3A_69, %add3A_119 : i32
          %sub3A_121 = arith.constant 1 : i32
          %sub3A_122 = arith.subi %add3A_120, %sub3A_121 : i32
          %dma_start3A_123 = arith.constant 0 : i32
          %dma_start3A_124 = tpu.memref_slice %arg6[%sub3A_122, %dma_start3A_123] : memref<32x64xi32, #tpu.memory_space<vmem>> -> memref<1x64xi32, #tpu.memory_space<vmem>>
          %dma_start3A_125 = tpu.memref_squeeze %dma_start3A_124 : memref<1x64xi32, #tpu.memory_space<vmem>> -> memref<64xi32, #tpu.memory_space<vmem>>
          %dma_start3A_126 = arith.constant 0 : i32
          %dma_start3A_127 = arith.constant 0 : i32
          %dma_start3A_128 = tpu.memref_slice %arg2[%dma_start3A_126, %dma_start3A_127] : memref<85000x128xf32, #tpu.memory_space<hbm>> -> memref<85000x128xf32, #tpu.memory_space<hbm>>
          tpu.enqueue_indirect_dma source(%dma_start3A_128 : memref<85000x128xf32, #tpu.memory_space<hbm>>) target(%arg8 : memref<64x128xf32, #tpu.memory_space<vmem>>) offsets(%dma_start3A_125 : memref<64xi32, #tpu.memory_space<vmem>>) semaphore(%arg13 : memref<!tpu.dma_semaphore, #tpu.memory_space<semaphore_mem>>)
        } else {
        }
        %dma_wait3A_79 = arith.constant 0 : i32
        %dma_wait3A_80 = tpu.memref_slice %arg6[%add3A_69, %dma_wait3A_79] : memref<32x64xi32, #tpu.memory_space<vmem>> -> memref<1x64xi32, #tpu.memory_space<vmem>>
        %dma_wait3A_81 = tpu.memref_squeeze %dma_wait3A_80 : memref<1x64xi32, #tpu.memory_space<vmem>> -> memref<64xi32, #tpu.memory_space<vmem>>
        %dma_wait3A_82 = arith.constant 0 : i32
        %dma_wait3A_83 = arith.constant 0 : i32
        %dma_wait3A_84 = tpu.memref_slice %arg2[%dma_wait3A_82, %dma_wait3A_83] : memref<85000x128xf32, #tpu.memory_space<hbm>> -> memref<85000x128xf32, #tpu.memory_space<hbm>>
        tpu.wait_indirect_dma semaphore(%arg14 : memref<!tpu.dma_semaphore, #tpu.memory_space<semaphore_mem>>) src(%dma_wait3A_84 : memref<85000x128xf32, #tpu.memory_space<hbm>>) dst(%arg9 : memref<64x128xf32, #tpu.memory_space<vmem>>)
        "tpu.region"() ({
          %run_scoped3A = tpu.sem_alloc : memref<!tpu.dma_semaphore, #tpu.memory_space<semaphore_mem>>
          %dma_start3A_119 = arith.constant 0 : i32
          %dma_start3A_120 = tpu.memref_slice %arg7[%add3A_69, %dma_start3A_119] : memref<32x64xi32, #tpu.memory_space<vmem>> -> memref<1x64xi32, #tpu.memory_space<vmem>>
          %dma_start3A_121 = tpu.memref_squeeze %dma_start3A_120 : memref<1x64xi32, #tpu.memory_space<vmem>> -> memref<64xi32, #tpu.memory_space<vmem>>
          %dma_start3A_122 = arith.constant 0 : i32
          %dma_start3A_123 = arith.constant 0 : i32
          %dma_start3A_124 = tpu.memref_slice %arg12[%dma_start3A_122, %dma_start3A_123] : memref<10000x128xf32, #tpu.memory_space<vmem_shared>> -> memref<10000x128xf32, #tpu.memory_space<vmem_shared>>
          tpu.enqueue_indirect_dma source(%arg9 : memref<64x128xf32, #tpu.memory_space<vmem>>) target(%dma_start3A_124 : memref<10000x128xf32, #tpu.memory_space<vmem_shared>>) offsets(%dma_start3A_121 : memref<64xi32, #tpu.memory_space<vmem>>) semaphore(%run_scoped3A : memref<!tpu.dma_semaphore, #tpu.memory_space<semaphore_mem>>) {add = true}
          %dma_wait3A_125 = arith.constant 0 : i32
          %dma_wait3A_126 = tpu.memref_slice %arg7[%add3A_69, %dma_wait3A_125] : memref<32x64xi32, #tpu.memory_space<vmem>> -> memref<1x64xi32, #tpu.memory_space<vmem>>
          %dma_wait3A_127 = tpu.memref_squeeze %dma_wait3A_126 : memref<1x64xi32, #tpu.memory_space<vmem>> -> memref<64xi32, #tpu.memory_space<vmem>>
          %dma_wait3A_128 = arith.constant 0 : i32
          %dma_wait3A_129 = arith.constant 0 : i32
          %dma_wait3A_130 = tpu.memref_slice %arg12[%dma_wait3A_128, %dma_wait3A_129] : memref<10000x128xf32, #tpu.memory_space<vmem_shared>> -> memref<10000x128xf32, #tpu.memory_space<vmem_shared>>
          tpu.wait_indirect_dma semaphore(%run_scoped3A : memref<!tpu.dma_semaphore, #tpu.memory_space<semaphore_mem>>) src(%arg9 : memref<64x128xf32, #tpu.memory_space<vmem>>) dst(%dma_wait3A_130 : memref<10000x128xf32, #tpu.memory_space<vmem_shared>>)
          tpu.yield
        }) : () -> ()
        %add3A_85 = arith.constant 2 : i32
        %add3A_86 = arith.addi %mul3A_53, %add3A_85 : i32
        %add3A_87 = arith.constant 4 : i32
        %add3A_88 = arith.addi %add3A_86, %add3A_87 : i32
        %sub3A_89 = arith.constant 1 : i32
        %sub3A_90 = arith.subi %add3A_88, %sub3A_89 : i32
        %lt3A_91 = arith.constant 32 : i32
        %lt3A_92 = arith.cmpi slt, %sub3A_90, %lt3A_91 : i32
        %convert_element_type3A_93 = arith.extui %lt3A_92 : i1 to i32
        %cond3A_94 = arith.constant 0 : i32
        %cond3A_95 = arith.cmpi ne, %convert_element_type3A_93, %cond3A_94 : i32
        scf.if %cond3A_95 {
          %add3A_119 = arith.constant 4 : i32
          %add3A_120 = arith.addi %add3A_86, %add3A_119 : i32
          %sub3A_121 = arith.constant 1 : i32
          %sub3A_122 = arith.subi %add3A_120, %sub3A_121 : i32
          %dma_start3A_123 = arith.constant 0 : i32
          %dma_start3A_124 = tpu.memref_slice %arg6[%sub3A_122, %dma_start3A_123] : memref<32x64xi32, #tpu.memory_space<vmem>> -> memref<1x64xi32, #tpu.memory_space<vmem>>
          %dma_start3A_125 = tpu.memref_squeeze %dma_start3A_124 : memref<1x64xi32, #tpu.memory_space<vmem>> -> memref<64xi32, #tpu.memory_space<vmem>>
          %dma_start3A_126 = arith.constant 0 : i32
          %dma_start3A_127 = arith.constant 0 : i32
          %dma_start3A_128 = tpu.memref_slice %arg2[%dma_start3A_126, %dma_start3A_127] : memref<85000x128xf32, #tpu.memory_space<hbm>> -> memref<85000x128xf32, #tpu.memory_space<hbm>>
          tpu.enqueue_indirect_dma source(%dma_start3A_128 : memref<85000x128xf32, #tpu.memory_space<hbm>>) target(%arg9 : memref<64x128xf32, #tpu.memory_space<vmem>>) offsets(%dma_start3A_125 : memref<64xi32, #tpu.memory_space<vmem>>) semaphore(%arg14 : memref<!tpu.dma_semaphore, #tpu.memory_space<semaphore_mem>>)
        } else {
        }
        %dma_wait3A_96 = arith.constant 0 : i32
        %dma_wait3A_97 = tpu.memref_slice %arg6[%add3A_86, %dma_wait3A_96] : memref<32x64xi32, #tpu.memory_space<vmem>> -> memref<1x64xi32, #tpu.memory_space<vmem>>
        %dma_wait3A_98 = tpu.memref_squeeze %dma_wait3A_97 : memref<1x64xi32, #tpu.memory_space<vmem>> -> memref<64xi32, #tpu.memory_space<vmem>>
        %dma_wait3A_99 = arith.constant 0 : i32
        %dma_wait3A_100 = arith.constant 0 : i32
        %dma_wait3A_101 = tpu.memref_slice %arg2[%dma_wait3A_99, %dma_wait3A_100] : memref<85000x128xf32, #tpu.memory_space<hbm>> -> memref<85000x128xf32, #tpu.memory_space<hbm>>
        tpu.wait_indirect_dma semaphore(%arg15 : memref<!tpu.dma_semaphore, #tpu.memory_space<semaphore_mem>>) src(%dma_wait3A_101 : memref<85000x128xf32, #tpu.memory_space<hbm>>) dst(%arg10 : memref<64x128xf32, #tpu.memory_space<vmem>>)
        "tpu.region"() ({
          %run_scoped3A = tpu.sem_alloc : memref<!tpu.dma_semaphore, #tpu.memory_space<semaphore_mem>>
          %dma_start3A_119 = arith.constant 0 : i32
          %dma_start3A_120 = tpu.memref_slice %arg7[%add3A_86, %dma_start3A_119] : memref<32x64xi32, #tpu.memory_space<vmem>> -> memref<1x64xi32, #tpu.memory_space<vmem>>
          %dma_start3A_121 = tpu.memref_squeeze %dma_start3A_120 : memref<1x64xi32, #tpu.memory_space<vmem>> -> memref<64xi32, #tpu.memory_space<vmem>>
          %dma_start3A_122 = arith.constant 0 : i32
          %dma_start3A_123 = arith.constant 0 : i32
          %dma_start3A_124 = tpu.memref_slice %arg12[%dma_start3A_122, %dma_start3A_123] : memref<10000x128xf32, #tpu.memory_space<vmem_shared>> -> memref<10000x128xf32, #tpu.memory_space<vmem_shared>>
          tpu.enqueue_indirect_dma source(%arg10 : memref<64x128xf32, #tpu.memory_space<vmem>>) target(%dma_start3A_124 : memref<10000x128xf32, #tpu.memory_space<vmem_shared>>) offsets(%dma_start3A_121 : memref<64xi32, #tpu.memory_space<vmem>>) semaphore(%run_scoped3A : memref<!tpu.dma_semaphore, #tpu.memory_space<semaphore_mem>>) {add = true}
          %dma_wait3A_125 = arith.constant 0 : i32
          %dma_wait3A_126 = tpu.memref_slice %arg7[%add3A_86, %dma_wait3A_125] : memref<32x64xi32, #tpu.memory_space<vmem>> -> memref<1x64xi32, #tpu.memory_space<vmem>>
          %dma_wait3A_127 = tpu.memref_squeeze %dma_wait3A_126 : memref<1x64xi32, #tpu.memory_space<vmem>> -> memref<64xi32, #tpu.memory_space<vmem>>
          %dma_wait3A_128 = arith.constant 0 : i32
          %dma_wait3A_129 = arith.constant 0 : i32
          %dma_wait3A_130 = tpu.memref_slice %arg12[%dma_wait3A_128, %dma_wait3A_129] : memref<10000x128xf32, #tpu.memory_space<vmem_shared>> -> memref<10000x128xf32, #tpu.memory_space<vmem_shared>>
          tpu.wait_indirect_dma semaphore(%run_scoped3A : memref<!tpu.dma_semaphore, #tpu.memory_space<semaphore_mem>>) src(%arg10 : memref<64x128xf32, #tpu.memory_space<vmem>>) dst(%dma_wait3A_130 : memref<10000x128xf32, #tpu.memory_space<vmem_shared>>)
          tpu.yield
        }) : () -> ()
        %add3A_102 = arith.constant 3 : i32
        %add3A_103 = arith.addi %mul3A_53, %add3A_102 : i32
        %add3A_104 = arith.constant 4 : i32
        %add3A_105 = arith.addi %add3A_103, %add3A_104 : i32
        %sub3A_106 = arith.constant 1 : i32
        %sub3A_107 = arith.subi %add3A_105, %sub3A_106 : i32
        %lt3A_108 = arith.constant 32 : i32
        %lt3A_109 = arith.cmpi slt, %sub3A_107, %lt3A_108 : i32
        %convert_element_type3A_110 = arith.extui %lt3A_109 : i1 to i32
        %cond3A_111 = arith.constant 0 : i32
        %cond3A_112 = arith.cmpi ne, %convert_element_type3A_110, %cond3A_111 : i32
        scf.if %cond3A_112 {
          %add3A_119 = arith.constant 4 : i32
          %add3A_120 = arith.addi %add3A_103, %add3A_119 : i32
          %sub3A_121 = arith.constant 1 : i32
          %sub3A_122 = arith.subi %add3A_120, %sub3A_121 : i32
          %dma_start3A_123 = arith.constant 0 : i32
          %dma_start3A_124 = tpu.memref_slice %arg6[%sub3A_122, %dma_start3A_123] : memref<32x64xi32, #tpu.memory_space<vmem>> -> memref<1x64xi32, #tpu.memory_space<vmem>>
          %dma_start3A_125 = tpu.memref_squeeze %dma_start3A_124 : memref<1x64xi32, #tpu.memory_space<vmem>> -> memref<64xi32, #tpu.memory_space<vmem>>
          %dma_start3A_126 = arith.constant 0 : i32
          %dma_start3A_127 = arith.constant 0 : i32
          %dma_start3A_128 = tpu.memref_slice %arg2[%dma_start3A_126, %dma_start3A_127] : memref<85000x128xf32, #tpu.memory_space<hbm>> -> memref<85000x128xf32, #tpu.memory_space<hbm>>
          tpu.enqueue_indirect_dma source(%dma_start3A_128 : memref<85000x128xf32, #tpu.memory_space<hbm>>) target(%arg10 : memref<64x128xf32, #tpu.memory_space<vmem>>) offsets(%dma_start3A_125 : memref<64xi32, #tpu.memory_space<vmem>>) semaphore(%arg15 : memref<!tpu.dma_semaphore, #tpu.memory_space<semaphore_mem>>)
        } else {
        }
        %dma_wait3A_113 = arith.constant 0 : i32
        %dma_wait3A_114 = tpu.memref_slice %arg6[%add3A_103, %dma_wait3A_113] : memref<32x64xi32, #tpu.memory_space<vmem>> -> memref<1x64xi32, #tpu.memory_space<vmem>>
        %dma_wait3A_115 = tpu.memref_squeeze %dma_wait3A_114 : memref<1x64xi32, #tpu.memory_space<vmem>> -> memref<64xi32, #tpu.memory_space<vmem>>
        %dma_wait3A_116 = arith.constant 0 : i32
        %dma_wait3A_117 = arith.constant 0 : i32
        %dma_wait3A_118 = tpu.memref_slice %arg2[%dma_wait3A_116, %dma_wait3A_117] : memref<85000x128xf32, #tpu.memory_space<hbm>> -> memref<85000x128xf32, #tpu.memory_space<hbm>>
        tpu.wait_indirect_dma semaphore(%arg16 : memref<!tpu.dma_semaphore, #tpu.memory_space<semaphore_mem>>) src(%dma_wait3A_118 : memref<85000x128xf32, #tpu.memory_space<hbm>>) dst(%arg11 : memref<64x128xf32, #tpu.memory_space<vmem>>)
        "tpu.region"() ({
          %run_scoped3A = tpu.sem_alloc : memref<!tpu.dma_semaphore, #tpu.memory_space<semaphore_mem>>
          %dma_start3A_119 = arith.constant 0 : i32
          %dma_start3A_120 = tpu.memref_slice %arg7[%add3A_103, %dma_start3A_119] : memref<32x64xi32, #tpu.memory_space<vmem>> -> memref<1x64xi32, #tpu.memory_space<vmem>>
          %dma_start3A_121 = tpu.memref_squeeze %dma_start3A_120 : memref<1x64xi32, #tpu.memory_space<vmem>> -> memref<64xi32, #tpu.memory_space<vmem>>
          %dma_start3A_122 = arith.constant 0 : i32
          %dma_start3A_123 = arith.constant 0 : i32
          %dma_start3A_124 = tpu.memref_slice %arg12[%dma_start3A_122, %dma_start3A_123] : memref<10000x128xf32, #tpu.memory_space<vmem_shared>> -> memref<10000x128xf32, #tpu.memory_space<vmem_shared>>
          tpu.enqueue_indirect_dma source(%arg11 : memref<64x128xf32, #tpu.memory_space<vmem>>) target(%dma_start3A_124 : memref<10000x128xf32, #tpu.memory_space<vmem_shared>>) offsets(%dma_start3A_121 : memref<64xi32, #tpu.memory_space<vmem>>) semaphore(%run_scoped3A : memref<!tpu.dma_semaphore, #tpu.memory_space<semaphore_mem>>) {add = true}
          %dma_wait3A_125 = arith.constant 0 : i32
          %dma_wait3A_126 = tpu.memref_slice %arg7[%add3A_103, %dma_wait3A_125] : memref<32x64xi32, #tpu.memory_space<vmem>> -> memref<1x64xi32, #tpu.memory_space<vmem>>
          %dma_wait3A_127 = tpu.memref_squeeze %dma_wait3A_126 : memref<1x64xi32, #tpu.memory_space<vmem>> -> memref<64xi32, #tpu.memory_space<vmem>>
          %dma_wait3A_128 = arith.constant 0 : i32
          %dma_wait3A_129 = arith.constant 0 : i32
          %dma_wait3A_130 = tpu.memref_slice %arg12[%dma_wait3A_128, %dma_wait3A_129] : memref<10000x128xf32, #tpu.memory_space<vmem_shared>> -> memref<10000x128xf32, #tpu.memory_space<vmem_shared>>
          tpu.wait_indirect_dma semaphore(%run_scoped3A : memref<!tpu.dma_semaphore, #tpu.memory_space<semaphore_mem>>) src(%arg11 : memref<64x128xf32, #tpu.memory_space<vmem>>) dst(%dma_wait3A_130 : memref<10000x128xf32, #tpu.memory_space<vmem_shared>>)
          tpu.yield
        }) : () -> ()
      }
      %scan3A_50 = arith.constant 8 : i32
    }
    %scan3A_9 = arith.constant 5 : i32
    %barrier3A_10 = arith.constant 0 : index
    tpu.barrier barrier_id(%barrier3A_10)
    %mul3A_11 = arith.constant 624 : i32
    %mul3A_12 = arith.muli %arg1, %mul3A_11 : i32
    %mul3A_13 = arith.constant 624 : i32
    %mul3A_14 = arith.muli %arg1, %mul3A_13 : i32
    "tpu.region"() ({
      %run_scoped3A = tpu.sem_alloc : memref<!tpu.dma_semaphore, #tpu.memory_space<semaphore_mem>>
      %dma_start3A = arith.constant 0 : i32
      %dma_start3A_20 = tpu.memref_slice %arg5[%arg0, %mul3A_14, %dma_start3A] : memref<2x10000x128xf32, #tpu.memory_space<hbm>> -> memref<1x624x128xf32, #tpu.memory_space<hbm>>
      %dma_start3A_21 = tpu.memref_squeeze %dma_start3A_20 : memref<1x624x128xf32, #tpu.memory_space<hbm>> -> memref<624x128xf32, #tpu.memory_space<hbm>>
      %dma_start3A_22 = arith.constant 0 : i32
      %dma_start3A_23 = tpu.memref_slice %arg12[%mul3A_12, %dma_start3A_22] : memref<10000x128xf32, #tpu.memory_space<vmem_shared>> -> memref<624x128xf32, #tpu.memory_space<vmem_shared>>
      tpu.enqueue_dma source(%dma_start3A_23 : memref<624x128xf32, #tpu.memory_space<vmem_shared>>) target(%dma_start3A_21 : memref<624x128xf32, #tpu.memory_space<hbm>>) target_semaphore(%run_scoped3A : memref<!tpu.dma_semaphore, #tpu.memory_space<semaphore_mem>>)
      %dma_wait3A = arith.constant 0 : i32
      %dma_wait3A_24 = tpu.memref_slice %arg5[%arg0, %mul3A_14, %dma_wait3A] : memref<2x10000x128xf32, #tpu.memory_space<hbm>> -> memref<1x624x128xf32, #tpu.memory_space<hbm>>
      %dma_wait3A_25 = tpu.memref_squeeze %dma_wait3A_24 : memref<1x624x128xf32, #tpu.memory_space<hbm>> -> memref<624x128xf32, #tpu.memory_space<hbm>>
      %dma_wait3A_26 = arith.constant 0 : i32
      %dma_wait3A_27 = tpu.memref_slice %arg12[%mul3A_12, %dma_wait3A_26] : memref<10000x128xf32, #tpu.memory_space<vmem_shared>> -> memref<624x128xf32, #tpu.memory_space<vmem_shared>>
      tpu.wait_dma2 semaphore(%run_scoped3A : memref<!tpu.dma_semaphore, #tpu.memory_space<semaphore_mem>>) src(%dma_wait3A_27 : memref<624x128xf32, #tpu.memory_space<vmem_shared>>) dst(%dma_wait3A_25 : memref<624x128xf32, #tpu.memory_space<hbm>>)
      tpu.yield
    }) : () -> ()
    %eq3A_15 = arith.constant 15 : i32
    %eq3A_16 = arith.cmpi eq, %arg1, %eq3A_15 : i32
    %convert_element_type3A_17 = arith.extui %eq3A_16 : i1 to i32
    %cond3A_18 = arith.constant 0 : i32
    %cond3A_19 = arith.cmpi ne, %convert_element_type3A_17, %cond3A_18 : i32
    scf.if %cond3A_19 {
      "tpu.region"() ({
        %run_scoped3A = tpu.sem_alloc : memref<!tpu.dma_semaphore, #tpu.memory_space<semaphore_mem>>
        %dma_start3A = arith.constant 9984 : i32
        %dma_start3A_20 = arith.constant 0 : i32
        %dma_start3A_21 = tpu.memref_slice %arg5[%arg0, %dma_start3A, %dma_start3A_20] : memref<2x10000x128xf32, #tpu.memory_space<hbm>> -> memref<1x16x128xf32, #tpu.memory_space<hbm>>
        %dma_start3A_22 = tpu.memref_squeeze %dma_start3A_21 : memref<1x16x128xf32, #tpu.memory_space<hbm>> -> memref<16x128xf32, #tpu.memory_space<hbm>>
        %dma_start3A_23 = arith.constant 9984 : i32
        %dma_start3A_24 = arith.constant 0 : i32
        %dma_start3A_25 = tpu.memref_slice %arg12[%dma_start3A_23, %dma_start3A_24] : memref<10000x128xf32, #tpu.memory_space<vmem_shared>> -> memref<16x128xf32, #tpu.memory_space<vmem_shared>>
        tpu.enqueue_dma source(%dma_start3A_25 : memref<16x128xf32, #tpu.memory_space<vmem_shared>>) target(%dma_start3A_22 : memref<16x128xf32, #tpu.memory_space<hbm>>) target_semaphore(%run_scoped3A : memref<!tpu.dma_semaphore, #tpu.memory_space<semaphore_mem>>)
        %dma_wait3A = arith.constant 9984 : i32
        %dma_wait3A_26 = arith.constant 0 : i32
        %dma_wait3A_27 = tpu.memref_slice %arg5[%arg0, %dma_wait3A, %dma_wait3A_26] : memref<2x10000x128xf32, #tpu.memory_space<hbm>> -> memref<1x16x128xf32, #tpu.memory_space<hbm>>
        %dma_wait3A_28 = tpu.memref_squeeze %dma_wait3A_27 : memref<1x16x128xf32, #tpu.memory_space<hbm>> -> memref<16x128xf32, #tpu.memory_space<hbm>>
        %dma_wait3A_29 = arith.constant 9984 : i32
        %dma_wait3A_30 = arith.constant 0 : i32
        %dma_wait3A_31 = tpu.memref_slice %arg12[%dma_wait3A_29, %dma_wait3A_30] : memref<10000x128xf32, #tpu.memory_space<vmem_shared>> -> memref<16x128xf32, #tpu.memory_space<vmem_shared>>
        tpu.wait_dma2 semaphore(%run_scoped3A : memref<!tpu.dma_semaphore, #tpu.memory_space<semaphore_mem>>) src(%dma_wait3A_31 : memref<16x128xf32, #tpu.memory_space<vmem_shared>>) dst(%dma_wait3A_28 : memref<16x128xf32, #tpu.memory_space<hbm>>)
        tpu.yield
      }) : () -> ()
    } else {
    }
    return
  }
}

#map = affine_map<(d0, d1) -> (0, 0)>
#map1 = affine_map<(d0, d1) -> (0, 0, 0)>
module attributes {stable_mosaic.version = 14 : i64} {
  func.func @edge_agg(%arg0: i32, %arg1: i32, %arg2: memref<85000x128xf32, #tpu.memory_space<hbm>>, %arg3: memref<32x160x64xi32, #tpu.memory_space<hbm>>, %arg4: memref<32x160x64xi32, #tpu.memory_space<hbm>>, %arg5: memref<2x10000x128xf32, #tpu.memory_space<hbm>>, %arg6: memref<32x64xi32, #tpu.memory_space<vmem>>, %arg7: memref<32x64xi32, #tpu.memory_space<vmem>>, %arg8: memref<64x128xf32, #tpu.memory_space<vmem>>, %arg9: memref<64x128xf32, #tpu.memory_space<vmem>>, %arg10: memref<64x128xf32, #tpu.memory_space<vmem>>, %arg11: memref<64x128xf32, #tpu.memory_space<vmem>>, %arg12: memref<10000x128xf32, #tpu.memory_space<vmem_shared>>, %arg13: memref<!tpu.dma_semaphore, #tpu.memory_space<semaphore_mem>>, %arg14: memref<!tpu.dma_semaphore, #tpu.memory_space<semaphore_mem>>, %arg15: memref<!tpu.dma_semaphore, #tpu.memory_space<semaphore_mem>>, %arg16: memref<!tpu.dma_semaphore, #tpu.memory_space<semaphore_mem>>) attributes {dimension_semantics = [#tpu.dimension_semantics<core_parallel>, #tpu.dimension_semantics<subcore_parallel>], iteration_bounds = array<i64: 2, 16>, scalar_prefetch = 0 : i64, scratch_operands = 11 : i64, tpu.core_type = #tpu.core_type<sc_vector_subcore>, window_params = [{transform_indices = #map}, {transform_indices = #map1}, {transform_indices = #map1}, {transform_indices = #map1}]} {
    %mul3A = arith.constant 2 : i32
    %mul3A_0 = arith.muli %arg1, %mul3A : i32
    %add3A = arith.addi %mul3A_0, %arg0 : i32
    %mul3A_1 = arith.constant 624 : i32
    %mul3A_2 = arith.muli %arg1, %mul3A_1 : i32
    "tpu.region"() ({
      %run_scoped3A = tpu.sem_alloc : memref<!tpu.dma_semaphore, #tpu.memory_space<semaphore_mem>>
      %dma_start3A = arith.constant 0 : i32
      %dma_start3A_20 = tpu.memref_slice %arg12[%mul3A_2, %dma_start3A] : memref<10000x128xf32, #tpu.memory_space<vmem_shared>> -> memref<624x128xf32, #tpu.memory_space<vmem_shared>>
      %dma_start3A_21 = arith.constant 0 : i32
      %dma_start3A_22 = arith.constant 0 : i32
      %dma_start3A_23 = tpu.memref_slice %arg2[%dma_start3A_21, %dma_start3A_22] : memref<85000x128xf32, #tpu.memory_space<hbm>> -> memref<624x128xf32, #tpu.memory_space<hbm>>
      tpu.enqueue_dma source(%dma_start3A_23 : memref<624x128xf32, #tpu.memory_space<hbm>>) target(%dma_start3A_20 : memref<624x128xf32, #tpu.memory_space<vmem_shared>>) target_semaphore(%run_scoped3A : memref<!tpu.dma_semaphore, #tpu.memory_space<semaphore_mem>>)
      %dma_wait3A = arith.constant 0 : i32
      %dma_wait3A_24 = tpu.memref_slice %arg12[%mul3A_2, %dma_wait3A] : memref<10000x128xf32, #tpu.memory_space<vmem_shared>> -> memref<624x128xf32, #tpu.memory_space<vmem_shared>>
      %dma_wait3A_25 = arith.constant 0 : i32
      %dma_wait3A_26 = arith.constant 0 : i32
      %dma_wait3A_27 = tpu.memref_slice %arg2[%dma_wait3A_25, %dma_wait3A_26] : memref<85000x128xf32, #tpu.memory_space<hbm>> -> memref<624x128xf32, #tpu.memory_space<hbm>>
      tpu.wait_dma2 semaphore(%run_scoped3A : memref<!tpu.dma_semaphore, #tpu.memory_space<semaphore_mem>>) src(%dma_wait3A_27 : memref<624x128xf32, #tpu.memory_space<hbm>>) dst(%dma_wait3A_24 : memref<624x128xf32, #tpu.memory_space<vmem_shared>>)
      tpu.yield
    }) : () -> ()
    %eq3A = arith.constant 15 : i32
    %eq3A_3 = arith.cmpi eq, %arg1, %eq3A : i32
    %convert_element_type3A = arith.extui %eq3A_3 : i1 to i32
    %cond3A = arith.constant 0 : i32
    %cond3A_4 = arith.cmpi ne, %convert_element_type3A, %cond3A : i32
    scf.if %cond3A_4 {
      "tpu.region"() ({
        %run_scoped3A = tpu.sem_alloc : memref<!tpu.dma_semaphore, #tpu.memory_space<semaphore_mem>>
        %dma_start3A = arith.constant 9984 : i32
        %dma_start3A_20 = arith.constant 0 : i32
        %dma_start3A_21 = tpu.memref_slice %arg12[%dma_start3A, %dma_start3A_20] : memref<10000x128xf32, #tpu.memory_space<vmem_shared>> -> memref<16x128xf32, #tpu.memory_space<vmem_shared>>
        %dma_start3A_22 = arith.constant 0 : i32
        %dma_start3A_23 = arith.constant 0 : i32
        %dma_start3A_24 = tpu.memref_slice %arg2[%dma_start3A_22, %dma_start3A_23] : memref<85000x128xf32, #tpu.memory_space<hbm>> -> memref<16x128xf32, #tpu.memory_space<hbm>>
        tpu.enqueue_dma source(%dma_start3A_24 : memref<16x128xf32, #tpu.memory_space<hbm>>) target(%dma_start3A_21 : memref<16x128xf32, #tpu.memory_space<vmem_shared>>) target_semaphore(%run_scoped3A : memref<!tpu.dma_semaphore, #tpu.memory_space<semaphore_mem>>)
        %dma_wait3A = arith.constant 9984 : i32
        %dma_wait3A_25 = arith.constant 0 : i32
        %dma_wait3A_26 = tpu.memref_slice %arg12[%dma_wait3A, %dma_wait3A_25] : memref<10000x128xf32, #tpu.memory_space<vmem_shared>> -> memref<16x128xf32, #tpu.memory_space<vmem_shared>>
        %dma_wait3A_27 = arith.constant 0 : i32
        %dma_wait3A_28 = arith.constant 0 : i32
        %dma_wait3A_29 = tpu.memref_slice %arg2[%dma_wait3A_27, %dma_wait3A_28] : memref<85000x128xf32, #tpu.memory_space<hbm>> -> memref<16x128xf32, #tpu.memory_space<hbm>>
        tpu.wait_dma2 semaphore(%run_scoped3A : memref<!tpu.dma_semaphore, #tpu.memory_space<semaphore_mem>>) src(%dma_wait3A_29 : memref<16x128xf32, #tpu.memory_space<hbm>>) dst(%dma_wait3A_26 : memref<16x128xf32, #tpu.memory_space<vmem_shared>>)
        tpu.yield
      }) : () -> ()
    } else {
    }
    %barrier3A = arith.constant 0 : index
    tpu.barrier barrier_id(%barrier3A)
    %scan3A = arith.constant 0 : i32
    %scan3A_5 = arith.constant 0 : i32
    %scan3A_6 = arith.constant 5 : i32
    %scan3A_7 = arith.addi %scan3A_5, %scan3A_6 : i32
    %scan3A_8 = arith.constant 1 : i32
    scf.for %scan3A_20 = %scan3A_5 to %scan3A_7 step %scan3A_8  : i32 {
      %mul3A_21 = arith.constant 32 : i32
      %mul3A_22 = arith.muli %scan3A_20, %mul3A_21 : i32
      "tpu.region"() ({
        %run_scoped3A = tpu.sem_alloc : memref<!tpu.dma_semaphore, #tpu.memory_space<semaphore_mem>>
        %dma_start3A_51 = arith.constant 0 : i32
        %dma_start3A_52 = tpu.memref_slice %arg3[%add3A, %mul3A_22, %dma_start3A_51] : memref<32x160x64xi32, #tpu.memory_space<hbm>> -> memref<1x32x64xi32, #tpu.memory_space<hbm>>
        %dma_start3A_53 = tpu.memref_squeeze %dma_start3A_52 : memref<1x32x64xi32, #tpu.memory_space<hbm>> -> memref<32x64xi32, #tpu.memory_space<hbm>>
        %dma_start3A_54 = arith.constant 0 : i32
        %dma_start3A_55 = tpu.memref_slice %arg3[%add3A, %mul3A_22, %dma_start3A_54] : memref<32x160x64xi32, #tpu.memory_space<hbm>> -> memref<1x32x64xi32, #tpu.memory_space<hbm>>
        %dma_start3A_56 = tpu.memref_squeeze %dma_start3A_55 : memref<1x32x64xi32, #tpu.memory_space<hbm>> -> memref<32x64xi32, #tpu.memory_space<hbm>>
        tpu.enqueue_dma source(%dma_start3A_56 : memref<32x64xi32, #tpu.memory_space<hbm>>) target(%arg6 : memref<32x64xi32, #tpu.memory_space<vmem>>) target_semaphore(%run_scoped3A : memref<!tpu.dma_semaphore, #tpu.memory_space<semaphore_mem>>)
        %dma_wait3A = arith.constant 0 : i32
        %dma_wait3A_57 = tpu.memref_slice %arg3[%add3A, %mul3A_22, %dma_wait3A] : memref<32x160x64xi32, #tpu.memory_space<hbm>> -> memref<1x32x64xi32, #tpu.memory_space<hbm>>
        %dma_wait3A_58 = tpu.memref_squeeze %dma_wait3A_57 : memref<1x32x64xi32, #tpu.memory_space<hbm>> -> memref<32x64xi32, #tpu.memory_space<hbm>>
        %dma_wait3A_59 = arith.constant 0 : i32
        %dma_wait3A_60 = tpu.memref_slice %arg3[%add3A, %mul3A_22, %dma_wait3A_59] : memref<32x160x64xi32, #tpu.memory_space<hbm>> -> memref<1x32x64xi32, #tpu.memory_space<hbm>>
        %dma_wait3A_61 = tpu.memref_squeeze %dma_wait3A_60 : memref<1x32x64xi32, #tpu.memory_space<hbm>> -> memref<32x64xi32, #tpu.memory_space<hbm>>
        tpu.wait_dma2 semaphore(%run_scoped3A : memref<!tpu.dma_semaphore, #tpu.memory_space<semaphore_mem>>) src(%dma_wait3A_61 : memref<32x64xi32, #tpu.memory_space<hbm>>) dst(%arg6 : memref<32x64xi32, #tpu.memory_space<vmem>>)
        tpu.yield
      }) : () -> ()
      %mul3A_23 = arith.constant 32 : i32
      %mul3A_24 = arith.muli %scan3A_20, %mul3A_23 : i32
      "tpu.region"() ({
        %run_scoped3A = tpu.sem_alloc : memref<!tpu.dma_semaphore, #tpu.memory_space<semaphore_mem>>
        %dma_start3A_51 = arith.constant 0 : i32
        %dma_start3A_52 = tpu.memref_slice %arg4[%add3A, %mul3A_24, %dma_start3A_51] : memref<32x160x64xi32, #tpu.memory_space<hbm>> -> memref<1x32x64xi32, #tpu.memory_space<hbm>>
        %dma_start3A_53 = tpu.memref_squeeze %dma_start3A_52 : memref<1x32x64xi32, #tpu.memory_space<hbm>> -> memref<32x64xi32, #tpu.memory_space<hbm>>
        %dma_start3A_54 = arith.constant 0 : i32
        %dma_start3A_55 = tpu.memref_slice %arg4[%add3A, %mul3A_24, %dma_start3A_54] : memref<32x160x64xi32, #tpu.memory_space<hbm>> -> memref<1x32x64xi32, #tpu.memory_space<hbm>>
        %dma_start3A_56 = tpu.memref_squeeze %dma_start3A_55 : memref<1x32x64xi32, #tpu.memory_space<hbm>> -> memref<32x64xi32, #tpu.memory_space<hbm>>
        tpu.enqueue_dma source(%dma_start3A_56 : memref<32x64xi32, #tpu.memory_space<hbm>>) target(%arg7 : memref<32x64xi32, #tpu.memory_space<vmem>>) target_semaphore(%run_scoped3A : memref<!tpu.dma_semaphore, #tpu.memory_space<semaphore_mem>>)
        %dma_wait3A = arith.constant 0 : i32
        %dma_wait3A_57 = tpu.memref_slice %arg4[%add3A, %mul3A_24, %dma_wait3A] : memref<32x160x64xi32, #tpu.memory_space<hbm>> -> memref<1x32x64xi32, #tpu.memory_space<hbm>>
        %dma_wait3A_58 = tpu.memref_squeeze %dma_wait3A_57 : memref<1x32x64xi32, #tpu.memory_space<hbm>> -> memref<32x64xi32, #tpu.memory_space<hbm>>
        %dma_wait3A_59 = arith.constant 0 : i32
        %dma_wait3A_60 = tpu.memref_slice %arg4[%add3A, %mul3A_24, %dma_wait3A_59] : memref<32x160x64xi32, #tpu.memory_space<hbm>> -> memref<1x32x64xi32, #tpu.memory_space<hbm>>
        %dma_wait3A_61 = tpu.memref_squeeze %dma_wait3A_60 : memref<1x32x64xi32, #tpu.memory_space<hbm>> -> memref<32x64xi32, #tpu.memory_space<hbm>>
        tpu.wait_dma2 semaphore(%run_scoped3A : memref<!tpu.dma_semaphore, #tpu.memory_space<semaphore_mem>>) src(%dma_wait3A_61 : memref<32x64xi32, #tpu.memory_space<hbm>>) dst(%arg7 : memref<32x64xi32, #tpu.memory_space<vmem>>)
        tpu.yield
      }) : () -> ()
      %dma_start3A = arith.constant 0 : i32
      %dma_start3A_25 = arith.constant 0 : i32
      %dma_start3A_26 = tpu.memref_slice %arg6[%dma_start3A, %dma_start3A_25] : memref<32x64xi32, #tpu.memory_space<vmem>> -> memref<1x64xi32, #tpu.memory_space<vmem>>
      %dma_start3A_27 = tpu.memref_squeeze %dma_start3A_26 : memref<1x64xi32, #tpu.memory_space<vmem>> -> memref<64xi32, #tpu.memory_space<vmem>>
      %dma_start3A_28 = arith.constant 0 : i32
      %dma_start3A_29 = arith.constant 0 : i32
      %dma_start3A_30 = tpu.memref_slice %arg2[%dma_start3A_28, %dma_start3A_29] : memref<85000x128xf32, #tpu.memory_space<hbm>> -> memref<85000x128xf32, #tpu.memory_space<hbm>>
      tpu.enqueue_indirect_dma source(%dma_start3A_30 : memref<85000x128xf32, #tpu.memory_space<hbm>>) target(%arg8 : memref<64x128xf32, #tpu.memory_space<vmem>>) offsets(%dma_start3A_27 : memref<64xi32, #tpu.memory_space<vmem>>) semaphore(%arg13 : memref<!tpu.dma_semaphore, #tpu.memory_space<semaphore_mem>>)
      %dma_start3A_31 = arith.constant 1 : i32
      %dma_start3A_32 = arith.constant 0 : i32
      %dma_start3A_33 = tpu.memref_slice %arg6[%dma_start3A_31, %dma_start3A_32] : memref<32x64xi32, #tpu.memory_space<vmem>> -> memref<1x64xi32, #tpu.memory_space<vmem>>
      %dma_start3A_34 = tpu.memref_squeeze %dma_start3A_33 : memref<1x64xi32, #tpu.memory_space<vmem>> -> memref<64xi32, #tpu.memory_space<vmem>>
      %dma_start3A_35 = arith.constant 0 : i32
      %dma_start3A_36 = arith.constant 0 : i32
      %dma_start3A_37 = tpu.memref_slice %arg2[%dma_start3A_35, %dma_start3A_36] : memref<85000x128xf32, #tpu.memory_space<hbm>> -> memref<85000x128xf32, #tpu.memory_space<hbm>>
      tpu.enqueue_indirect_dma source(%dma_start3A_37 : memref<85000x128xf32, #tpu.memory_space<hbm>>) target(%arg9 : memref<64x128xf32, #tpu.memory_space<vmem>>) offsets(%dma_start3A_34 : memref<64xi32, #tpu.memory_space<vmem>>) semaphore(%arg14 : memref<!tpu.dma_semaphore, #tpu.memory_space<semaphore_mem>>)
      %dma_start3A_38 = arith.constant 2 : i32
      %dma_start3A_39 = arith.constant 0 : i32
      %dma_start3A_40 = tpu.memref_slice %arg6[%dma_start3A_38, %dma_start3A_39] : memref<32x64xi32, #tpu.memory_space<vmem>> -> memref<1x64xi32, #tpu.memory_space<vmem>>
      %dma_start3A_41 = tpu.memref_squeeze %dma_start3A_40 : memref<1x64xi32, #tpu.memory_space<vmem>> -> memref<64xi32, #tpu.memory_space<vmem>>
      %dma_start3A_42 = arith.constant 0 : i32
      %dma_start3A_43 = arith.constant 0 : i32
      %dma_start3A_44 = tpu.memref_slice %arg2[%dma_start3A_42, %dma_start3A_43] : memref<85000x128xf32, #tpu.memory_space<hbm>> -> memref<85000x128xf32, #tpu.memory_space<hbm>>
      tpu.enqueue_indirect_dma source(%dma_start3A_44 : memref<85000x128xf32, #tpu.memory_space<hbm>>) target(%arg10 : memref<64x128xf32, #tpu.memory_space<vmem>>) offsets(%dma_start3A_41 : memref<64xi32, #tpu.memory_space<vmem>>) semaphore(%arg15 : memref<!tpu.dma_semaphore, #tpu.memory_space<semaphore_mem>>)
      %scan3A_45 = arith.constant 0 : i32
      %scan3A_46 = arith.constant 0 : i32
      %scan3A_47 = arith.constant 8 : i32
      %scan3A_48 = arith.addi %scan3A_46, %scan3A_47 : i32
      %scan3A_49 = arith.constant 1 : i32
      scf.for %scan3A_51 = %scan3A_46 to %scan3A_48 step %scan3A_49  : i32 {
        %mul3A_52 = arith.constant 4 : i32
        %mul3A_53 = arith.muli %scan3A_51, %mul3A_52 : i32
        %add3A_54 = arith.constant 0 : i32
        %add3A_55 = arith.addi %mul3A_53, %add3A_54 : i32
        %add3A_56 = arith.constant 4 : i32
        %add3A_57 = arith.addi %add3A_55, %add3A_56 : i32
        %sub3A = arith.constant 1 : i32
        %sub3A_58 = arith.subi %add3A_57, %sub3A : i32
        %lt3A = arith.constant 32 : i32
        %lt3A_59 = arith.cmpi slt, %sub3A_58, %lt3A : i32
        %convert_element_type3A_60 = arith.extui %lt3A_59 : i1 to i32
        %cond3A_61 = arith.constant 0 : i32
        %cond3A_62 = arith.cmpi ne, %convert_element_type3A_60, %cond3A_61 : i32
        scf.if %cond3A_62 {
          %add3A_119 = arith.constant 4 : i32
          %add3A_120 = arith.addi %add3A_55, %add3A_119 : i32
          %sub3A_121 = arith.constant 1 : i32
          %sub3A_122 = arith.subi %add3A_120, %sub3A_121 : i32
          %dma_start3A_123 = arith.constant 0 : i32
          %dma_start3A_124 = tpu.memref_slice %arg6[%sub3A_122, %dma_start3A_123] : memref<32x64xi32, #tpu.memory_space<vmem>> -> memref<1x64xi32, #tpu.memory_space<vmem>>
          %dma_start3A_125 = tpu.memref_squeeze %dma_start3A_124 : memref<1x64xi32, #tpu.memory_space<vmem>> -> memref<64xi32, #tpu.memory_space<vmem>>
          %dma_start3A_126 = arith.constant 0 : i32
          %dma_start3A_127 = arith.constant 0 : i32
          %dma_start3A_128 = tpu.memref_slice %arg2[%dma_start3A_126, %dma_start3A_127] : memref<85000x128xf32, #tpu.memory_space<hbm>> -> memref<85000x128xf32, #tpu.memory_space<hbm>>
          tpu.enqueue_indirect_dma source(%dma_start3A_128 : memref<85000x128xf32, #tpu.memory_space<hbm>>) target(%arg11 : memref<64x128xf32, #tpu.memory_space<vmem>>) offsets(%dma_start3A_125 : memref<64xi32, #tpu.memory_space<vmem>>) semaphore(%arg16 : memref<!tpu.dma_semaphore, #tpu.memory_space<semaphore_mem>>)
        } else {
        }
        %dma_wait3A = arith.constant 0 : i32
        %dma_wait3A_63 = tpu.memref_slice %arg6[%add3A_55, %dma_wait3A] : memref<32x64xi32, #tpu.memory_space<vmem>> -> memref<1x64xi32, #tpu.memory_space<vmem>>
        %dma_wait3A_64 = tpu.memref_squeeze %dma_wait3A_63 : memref<1x64xi32, #tpu.memory_space<vmem>> -> memref<64xi32, #tpu.memory_space<vmem>>
        %dma_wait3A_65 = arith.constant 0 : i32
        %dma_wait3A_66 = arith.constant 0 : i32
        %dma_wait3A_67 = tpu.memref_slice %arg2[%dma_wait3A_65, %dma_wait3A_66] : memref<85000x128xf32, #tpu.memory_space<hbm>> -> memref<85000x128xf32, #tpu.memory_space<hbm>>
        tpu.wait_indirect_dma semaphore(%arg13 : memref<!tpu.dma_semaphore, #tpu.memory_space<semaphore_mem>>) src(%dma_wait3A_67 : memref<85000x128xf32, #tpu.memory_space<hbm>>) dst(%arg8 : memref<64x128xf32, #tpu.memory_space<vmem>>)
        "tpu.region"() ({
          %run_scoped3A = tpu.sem_alloc : memref<!tpu.dma_semaphore, #tpu.memory_space<semaphore_mem>>
          %dma_start3A_119 = arith.constant 0 : i32
          %dma_start3A_120 = tpu.memref_slice %arg7[%add3A_55, %dma_start3A_119] : memref<32x64xi32, #tpu.memory_space<vmem>> -> memref<1x64xi32, #tpu.memory_space<vmem>>
          %dma_start3A_121 = tpu.memref_squeeze %dma_start3A_120 : memref<1x64xi32, #tpu.memory_space<vmem>> -> memref<64xi32, #tpu.memory_space<vmem>>
          %dma_start3A_122 = arith.constant 0 : i32
          %dma_start3A_123 = arith.constant 0 : i32
          %dma_start3A_124 = tpu.memref_slice %arg12[%dma_start3A_122, %dma_start3A_123] : memref<10000x128xf32, #tpu.memory_space<vmem_shared>> -> memref<10000x128xf32, #tpu.memory_space<vmem_shared>>
          tpu.enqueue_indirect_dma source(%arg8 : memref<64x128xf32, #tpu.memory_space<vmem>>) target(%dma_start3A_124 : memref<10000x128xf32, #tpu.memory_space<vmem_shared>>) offsets(%dma_start3A_121 : memref<64xi32, #tpu.memory_space<vmem>>) semaphore(%run_scoped3A : memref<!tpu.dma_semaphore, #tpu.memory_space<semaphore_mem>>) {add = true}
          %dma_wait3A_125 = arith.constant 0 : i32
          %dma_wait3A_126 = tpu.memref_slice %arg7[%add3A_55, %dma_wait3A_125] : memref<32x64xi32, #tpu.memory_space<vmem>> -> memref<1x64xi32, #tpu.memory_space<vmem>>
          %dma_wait3A_127 = tpu.memref_squeeze %dma_wait3A_126 : memref<1x64xi32, #tpu.memory_space<vmem>> -> memref<64xi32, #tpu.memory_space<vmem>>
          %dma_wait3A_128 = arith.constant 0 : i32
          %dma_wait3A_129 = arith.constant 0 : i32
          %dma_wait3A_130 = tpu.memref_slice %arg12[%dma_wait3A_128, %dma_wait3A_129] : memref<10000x128xf32, #tpu.memory_space<vmem_shared>> -> memref<10000x128xf32, #tpu.memory_space<vmem_shared>>
          tpu.wait_indirect_dma semaphore(%run_scoped3A : memref<!tpu.dma_semaphore, #tpu.memory_space<semaphore_mem>>) src(%arg8 : memref<64x128xf32, #tpu.memory_space<vmem>>) dst(%dma_wait3A_130 : memref<10000x128xf32, #tpu.memory_space<vmem_shared>>)
          tpu.yield
        }) : () -> ()
        %add3A_68 = arith.constant 1 : i32
        %add3A_69 = arith.addi %mul3A_53, %add3A_68 : i32
        %add3A_70 = arith.constant 4 : i32
        %add3A_71 = arith.addi %add3A_69, %add3A_70 : i32
        %sub3A_72 = arith.constant 1 : i32
        %sub3A_73 = arith.subi %add3A_71, %sub3A_72 : i32
        %lt3A_74 = arith.constant 32 : i32
        %lt3A_75 = arith.cmpi slt, %sub3A_73, %lt3A_74 : i32
        %convert_element_type3A_76 = arith.extui %lt3A_75 : i1 to i32
        %cond3A_77 = arith.constant 0 : i32
        %cond3A_78 = arith.cmpi ne, %convert_element_type3A_76, %cond3A_77 : i32
        scf.if %cond3A_78 {
          %add3A_119 = arith.constant 4 : i32
          %add3A_120 = arith.addi %add3A_69, %add3A_119 : i32
          %sub3A_121 = arith.constant 1 : i32
          %sub3A_122 = arith.subi %add3A_120, %sub3A_121 : i32
          %dma_start3A_123 = arith.constant 0 : i32
          %dma_start3A_124 = tpu.memref_slice %arg6[%sub3A_122, %dma_start3A_123] : memref<32x64xi32, #tpu.memory_space<vmem>> -> memref<1x64xi32, #tpu.memory_space<vmem>>
          %dma_start3A_125 = tpu.memref_squeeze %dma_start3A_124 : memref<1x64xi32, #tpu.memory_space<vmem>> -> memref<64xi32, #tpu.memory_space<vmem>>
          %dma_start3A_126 = arith.constant 0 : i32
          %dma_start3A_127 = arith.constant 0 : i32
          %dma_start3A_128 = tpu.memref_slice %arg2[%dma_start3A_126, %dma_start3A_127] : memref<85000x128xf32, #tpu.memory_space<hbm>> -> memref<85000x128xf32, #tpu.memory_space<hbm>>
          tpu.enqueue_indirect_dma source(%dma_start3A_128 : memref<85000x128xf32, #tpu.memory_space<hbm>>) target(%arg8 : memref<64x128xf32, #tpu.memory_space<vmem>>) offsets(%dma_start3A_125 : memref<64xi32, #tpu.memory_space<vmem>>) semaphore(%arg13 : memref<!tpu.dma_semaphore, #tpu.memory_space<semaphore_mem>>)
        } else {
        }
        %dma_wait3A_79 = arith.constant 0 : i32
        %dma_wait3A_80 = tpu.memref_slice %arg6[%add3A_69, %dma_wait3A_79] : memref<32x64xi32, #tpu.memory_space<vmem>> -> memref<1x64xi32, #tpu.memory_space<vmem>>
        %dma_wait3A_81 = tpu.memref_squeeze %dma_wait3A_80 : memref<1x64xi32, #tpu.memory_space<vmem>> -> memref<64xi32, #tpu.memory_space<vmem>>
        %dma_wait3A_82 = arith.constant 0 : i32
        %dma_wait3A_83 = arith.constant 0 : i32
        %dma_wait3A_84 = tpu.memref_slice %arg2[%dma_wait3A_82, %dma_wait3A_83] : memref<85000x128xf32, #tpu.memory_space<hbm>> -> memref<85000x128xf32, #tpu.memory_space<hbm>>
        tpu.wait_indirect_dma semaphore(%arg14 : memref<!tpu.dma_semaphore, #tpu.memory_space<semaphore_mem>>) src(%dma_wait3A_84 : memref<85000x128xf32, #tpu.memory_space<hbm>>) dst(%arg9 : memref<64x128xf32, #tpu.memory_space<vmem>>)
        "tpu.region"() ({
          %run_scoped3A = tpu.sem_alloc : memref<!tpu.dma_semaphore, #tpu.memory_space<semaphore_mem>>
          %dma_start3A_119 = arith.constant 0 : i32
          %dma_start3A_120 = tpu.memref_slice %arg7[%add3A_69, %dma_start3A_119] : memref<32x64xi32, #tpu.memory_space<vmem>> -> memref<1x64xi32, #tpu.memory_space<vmem>>
          %dma_start3A_121 = tpu.memref_squeeze %dma_start3A_120 : memref<1x64xi32, #tpu.memory_space<vmem>> -> memref<64xi32, #tpu.memory_space<vmem>>
          %dma_start3A_122 = arith.constant 0 : i32
          %dma_start3A_123 = arith.constant 0 : i32
          %dma_start3A_124 = tpu.memref_slice %arg12[%dma_start3A_122, %dma_start3A_123] : memref<10000x128xf32, #tpu.memory_space<vmem_shared>> -> memref<10000x128xf32, #tpu.memory_space<vmem_shared>>
          tpu.enqueue_indirect_dma source(%arg9 : memref<64x128xf32, #tpu.memory_space<vmem>>) target(%dma_start3A_124 : memref<10000x128xf32, #tpu.memory_space<vmem_shared>>) offsets(%dma_start3A_121 : memref<64xi32, #tpu.memory_space<vmem>>) semaphore(%run_scoped3A : memref<!tpu.dma_semaphore, #tpu.memory_space<semaphore_mem>>) {add = true}
          %dma_wait3A_125 = arith.constant 0 : i32
          %dma_wait3A_126 = tpu.memref_slice %arg7[%add3A_69, %dma_wait3A_125] : memref<32x64xi32, #tpu.memory_space<vmem>> -> memref<1x64xi32, #tpu.memory_space<vmem>>
          %dma_wait3A_127 = tpu.memref_squeeze %dma_wait3A_126 : memref<1x64xi32, #tpu.memory_space<vmem>> -> memref<64xi32, #tpu.memory_space<vmem>>
          %dma_wait3A_128 = arith.constant 0 : i32
          %dma_wait3A_129 = arith.constant 0 : i32
          %dma_wait3A_130 = tpu.memref_slice %arg12[%dma_wait3A_128, %dma_wait3A_129] : memref<10000x128xf32, #tpu.memory_space<vmem_shared>> -> memref<10000x128xf32, #tpu.memory_space<vmem_shared>>
          tpu.wait_indirect_dma semaphore(%run_scoped3A : memref<!tpu.dma_semaphore, #tpu.memory_space<semaphore_mem>>) src(%arg9 : memref<64x128xf32, #tpu.memory_space<vmem>>) dst(%dma_wait3A_130 : memref<10000x128xf32, #tpu.memory_space<vmem_shared>>)
          tpu.yield
        }) : () -> ()
        %add3A_85 = arith.constant 2 : i32
        %add3A_86 = arith.addi %mul3A_53, %add3A_85 : i32
        %add3A_87 = arith.constant 4 : i32
        %add3A_88 = arith.addi %add3A_86, %add3A_87 : i32
        %sub3A_89 = arith.constant 1 : i32
        %sub3A_90 = arith.subi %add3A_88, %sub3A_89 : i32
        %lt3A_91 = arith.constant 32 : i32
        %lt3A_92 = arith.cmpi slt, %sub3A_90, %lt3A_91 : i32
        %convert_element_type3A_93 = arith.extui %lt3A_92 : i1 to i32
        %cond3A_94 = arith.constant 0 : i32
        %cond3A_95 = arith.cmpi ne, %convert_element_type3A_93, %cond3A_94 : i32
        scf.if %cond3A_95 {
          %add3A_119 = arith.constant 4 : i32
          %add3A_120 = arith.addi %add3A_86, %add3A_119 : i32
          %sub3A_121 = arith.constant 1 : i32
          %sub3A_122 = arith.subi %add3A_120, %sub3A_121 : i32
          %dma_start3A_123 = arith.constant 0 : i32
          %dma_start3A_124 = tpu.memref_slice %arg6[%sub3A_122, %dma_start3A_123] : memref<32x64xi32, #tpu.memory_space<vmem>> -> memref<1x64xi32, #tpu.memory_space<vmem>>
          %dma_start3A_125 = tpu.memref_squeeze %dma_start3A_124 : memref<1x64xi32, #tpu.memory_space<vmem>> -> memref<64xi32, #tpu.memory_space<vmem>>
          %dma_start3A_126 = arith.constant 0 : i32
          %dma_start3A_127 = arith.constant 0 : i32
          %dma_start3A_128 = tpu.memref_slice %arg2[%dma_start3A_126, %dma_start3A_127] : memref<85000x128xf32, #tpu.memory_space<hbm>> -> memref<85000x128xf32, #tpu.memory_space<hbm>>
          tpu.enqueue_indirect_dma source(%dma_start3A_128 : memref<85000x128xf32, #tpu.memory_space<hbm>>) target(%arg9 : memref<64x128xf32, #tpu.memory_space<vmem>>) offsets(%dma_start3A_125 : memref<64xi32, #tpu.memory_space<vmem>>) semaphore(%arg14 : memref<!tpu.dma_semaphore, #tpu.memory_space<semaphore_mem>>)
        } else {
        }
        %dma_wait3A_96 = arith.constant 0 : i32
        %dma_wait3A_97 = tpu.memref_slice %arg6[%add3A_86, %dma_wait3A_96] : memref<32x64xi32, #tpu.memory_space<vmem>> -> memref<1x64xi32, #tpu.memory_space<vmem>>
        %dma_wait3A_98 = tpu.memref_squeeze %dma_wait3A_97 : memref<1x64xi32, #tpu.memory_space<vmem>> -> memref<64xi32, #tpu.memory_space<vmem>>
        %dma_wait3A_99 = arith.constant 0 : i32
        %dma_wait3A_100 = arith.constant 0 : i32
        %dma_wait3A_101 = tpu.memref_slice %arg2[%dma_wait3A_99, %dma_wait3A_100] : memref<85000x128xf32, #tpu.memory_space<hbm>> -> memref<85000x128xf32, #tpu.memory_space<hbm>>
        tpu.wait_indirect_dma semaphore(%arg15 : memref<!tpu.dma_semaphore, #tpu.memory_space<semaphore_mem>>) src(%dma_wait3A_101 : memref<85000x128xf32, #tpu.memory_space<hbm>>) dst(%arg10 : memref<64x128xf32, #tpu.memory_space<vmem>>)
        "tpu.region"() ({
          %run_scoped3A = tpu.sem_alloc : memref<!tpu.dma_semaphore, #tpu.memory_space<semaphore_mem>>
          %dma_start3A_119 = arith.constant 0 : i32
          %dma_start3A_120 = tpu.memref_slice %arg7[%add3A_86, %dma_start3A_119] : memref<32x64xi32, #tpu.memory_space<vmem>> -> memref<1x64xi32, #tpu.memory_space<vmem>>
          %dma_start3A_121 = tpu.memref_squeeze %dma_start3A_120 : memref<1x64xi32, #tpu.memory_space<vmem>> -> memref<64xi32, #tpu.memory_space<vmem>>
          %dma_start3A_122 = arith.constant 0 : i32
          %dma_start3A_123 = arith.constant 0 : i32
          %dma_start3A_124 = tpu.memref_slice %arg12[%dma_start3A_122, %dma_start3A_123] : memref<10000x128xf32, #tpu.memory_space<vmem_shared>> -> memref<10000x128xf32, #tpu.memory_space<vmem_shared>>
          tpu.enqueue_indirect_dma source(%arg10 : memref<64x128xf32, #tpu.memory_space<vmem>>) target(%dma_start3A_124 : memref<10000x128xf32, #tpu.memory_space<vmem_shared>>) offsets(%dma_start3A_121 : memref<64xi32, #tpu.memory_space<vmem>>) semaphore(%run_scoped3A : memref<!tpu.dma_semaphore, #tpu.memory_space<semaphore_mem>>) {add = true}
          %dma_wait3A_125 = arith.constant 0 : i32
          %dma_wait3A_126 = tpu.memref_slice %arg7[%add3A_86, %dma_wait3A_125] : memref<32x64xi32, #tpu.memory_space<vmem>> -> memref<1x64xi32, #tpu.memory_space<vmem>>
          %dma_wait3A_127 = tpu.memref_squeeze %dma_wait3A_126 : memref<1x64xi32, #tpu.memory_space<vmem>> -> memref<64xi32, #tpu.memory_space<vmem>>
          %dma_wait3A_128 = arith.constant 0 : i32
          %dma_wait3A_129 = arith.constant 0 : i32
          %dma_wait3A_130 = tpu.memref_slice %arg12[%dma_wait3A_128, %dma_wait3A_129] : memref<10000x128xf32, #tpu.memory_space<vmem_shared>> -> memref<10000x128xf32, #tpu.memory_space<vmem_shared>>
          tpu.wait_indirect_dma semaphore(%run_scoped3A : memref<!tpu.dma_semaphore, #tpu.memory_space<semaphore_mem>>) src(%arg10 : memref<64x128xf32, #tpu.memory_space<vmem>>) dst(%dma_wait3A_130 : memref<10000x128xf32, #tpu.memory_space<vmem_shared>>)
          tpu.yield
        }) : () -> ()
        %add3A_102 = arith.constant 3 : i32
        %add3A_103 = arith.addi %mul3A_53, %add3A_102 : i32
        %add3A_104 = arith.constant 4 : i32
        %add3A_105 = arith.addi %add3A_103, %add3A_104 : i32
        %sub3A_106 = arith.constant 1 : i32
        %sub3A_107 = arith.subi %add3A_105, %sub3A_106 : i32
        %lt3A_108 = arith.constant 32 : i32
        %lt3A_109 = arith.cmpi slt, %sub3A_107, %lt3A_108 : i32
        %convert_element_type3A_110 = arith.extui %lt3A_109 : i1 to i32
        %cond3A_111 = arith.constant 0 : i32
        %cond3A_112 = arith.cmpi ne, %convert_element_type3A_110, %cond3A_111 : i32
        scf.if %cond3A_112 {
          %add3A_119 = arith.constant 4 : i32
          %add3A_120 = arith.addi %add3A_103, %add3A_119 : i32
          %sub3A_121 = arith.constant 1 : i32
          %sub3A_122 = arith.subi %add3A_120, %sub3A_121 : i32
          %dma_start3A_123 = arith.constant 0 : i32
          %dma_start3A_124 = tpu.memref_slice %arg6[%sub3A_122, %dma_start3A_123] : memref<32x64xi32, #tpu.memory_space<vmem>> -> memref<1x64xi32, #tpu.memory_space<vmem>>
          %dma_start3A_125 = tpu.memref_squeeze %dma_start3A_124 : memref<1x64xi32, #tpu.memory_space<vmem>> -> memref<64xi32, #tpu.memory_space<vmem>>
          %dma_start3A_126 = arith.constant 0 : i32
          %dma_start3A_127 = arith.constant 0 : i32
          %dma_start3A_128 = tpu.memref_slice %arg2[%dma_start3A_126, %dma_start3A_127] : memref<85000x128xf32, #tpu.memory_space<hbm>> -> memref<85000x128xf32, #tpu.memory_space<hbm>>
          tpu.enqueue_indirect_dma source(%dma_start3A_128 : memref<85000x128xf32, #tpu.memory_space<hbm>>) target(%arg10 : memref<64x128xf32, #tpu.memory_space<vmem>>) offsets(%dma_start3A_125 : memref<64xi32, #tpu.memory_space<vmem>>) semaphore(%arg15 : memref<!tpu.dma_semaphore, #tpu.memory_space<semaphore_mem>>)
        } else {
        }
        %dma_wait3A_113 = arith.constant 0 : i32
        %dma_wait3A_114 = tpu.memref_slice %arg6[%add3A_103, %dma_wait3A_113] : memref<32x64xi32, #tpu.memory_space<vmem>> -> memref<1x64xi32, #tpu.memory_space<vmem>>
        %dma_wait3A_115 = tpu.memref_squeeze %dma_wait3A_114 : memref<1x64xi32, #tpu.memory_space<vmem>> -> memref<64xi32, #tpu.memory_space<vmem>>
        %dma_wait3A_116 = arith.constant 0 : i32
        %dma_wait3A_117 = arith.constant 0 : i32
        %dma_wait3A_118 = tpu.memref_slice %arg2[%dma_wait3A_116, %dma_wait3A_117] : memref<85000x128xf32, #tpu.memory_space<hbm>> -> memref<85000x128xf32, #tpu.memory_space<hbm>>
        tpu.wait_indirect_dma semaphore(%arg16 : memref<!tpu.dma_semaphore, #tpu.memory_space<semaphore_mem>>) src(%dma_wait3A_118 : memref<85000x128xf32, #tpu.memory_space<hbm>>) dst(%arg11 : memref<64x128xf32, #tpu.memory_space<vmem>>)
        "tpu.region"() ({
          %run_scoped3A = tpu.sem_alloc : memref<!tpu.dma_semaphore, #tpu.memory_space<semaphore_mem>>
          %dma_start3A_119 = arith.constant 0 : i32
          %dma_start3A_120 = tpu.memref_slice %arg7[%add3A_103, %dma_start3A_119] : memref<32x64xi32, #tpu.memory_space<vmem>> -> memref<1x64xi32, #tpu.memory_space<vmem>>
          %dma_start3A_121 = tpu.memref_squeeze %dma_start3A_120 : memref<1x64xi32, #tpu.memory_space<vmem>> -> memref<64xi32, #tpu.memory_space<vmem>>
          %dma_start3A_122 = arith.constant 0 : i32
          %dma_start3A_123 = arith.constant 0 : i32
          %dma_start3A_124 = tpu.memref_slice %arg12[%dma_start3A_122, %dma_start3A_123] : memref<10000x128xf32, #tpu.memory_space<vmem_shared>> -> memref<10000x128xf32, #tpu.memory_space<vmem_shared>>
          tpu.enqueue_indirect_dma source(%arg11 : memref<64x128xf32, #tpu.memory_space<vmem>>) target(%dma_start3A_124 : memref<10000x128xf32, #tpu.memory_space<vmem_shared>>) offsets(%dma_start3A_121 : memref<64xi32, #tpu.memory_space<vmem>>) semaphore(%run_scoped3A : memref<!tpu.dma_semaphore, #tpu.memory_space<semaphore_mem>>) {add = true}
          %dma_wait3A_125 = arith.constant 0 : i32
          %dma_wait3A_126 = tpu.memref_slice %arg7[%add3A_103, %dma_wait3A_125] : memref<32x64xi32, #tpu.memory_space<vmem>> -> memref<1x64xi32, #tpu.memory_space<vmem>>
          %dma_wait3A_127 = tpu.memref_squeeze %dma_wait3A_126 : memref<1x64xi32, #tpu.memory_space<vmem>> -> memref<64xi32, #tpu.memory_space<vmem>>
          %dma_wait3A_128 = arith.constant 0 : i32
          %dma_wait3A_129 = arith.constant 0 : i32
          %dma_wait3A_130 = tpu.memref_slice %arg12[%dma_wait3A_128, %dma_wait3A_129] : memref<10000x128xf32, #tpu.memory_space<vmem_shared>> -> memref<10000x128xf32, #tpu.memory_space<vmem_shared>>
          tpu.wait_indirect_dma semaphore(%run_scoped3A : memref<!tpu.dma_semaphore, #tpu.memory_space<semaphore_mem>>) src(%arg11 : memref<64x128xf32, #tpu.memory_space<vmem>>) dst(%dma_wait3A_130 : memref<10000x128xf32, #tpu.memory_space<vmem_shared>>)
          tpu.yield
        }) : () -> ()
      }
      %scan3A_50 = arith.constant 8 : i32
    }
    %scan3A_9 = arith.constant 5 : i32
    %barrier3A_10 = arith.constant 0 : index
    tpu.barrier barrier_id(%barrier3A_10)
    %mul3A_11 = arith.constant 624 : i32
    %mul3A_12 = arith.muli %arg1, %mul3A_11 : i32
    %mul3A_13 = arith.constant 624 : i32
    %mul3A_14 = arith.muli %arg1, %mul3A_13 : i32
    "tpu.region"() ({
      %run_scoped3A = tpu.sem_alloc : memref<!tpu.dma_semaphore, #tpu.memory_space<semaphore_mem>>
      %dma_start3A = arith.constant 0 : i32
      %dma_start3A_20 = tpu.memref_slice %arg5[%arg0, %mul3A_14, %dma_start3A] : memref<2x10000x128xf32, #tpu.memory_space<hbm>> -> memref<1x624x128xf32, #tpu.memory_space<hbm>>
      %dma_start3A_21 = tpu.memref_squeeze %dma_start3A_20 : memref<1x624x128xf32, #tpu.memory_space<hbm>> -> memref<624x128xf32, #tpu.memory_space<hbm>>
      %dma_start3A_22 = arith.constant 0 : i32
      %dma_start3A_23 = tpu.memref_slice %arg12[%mul3A_12, %dma_start3A_22] : memref<10000x128xf32, #tpu.memory_space<vmem_shared>> -> memref<624x128xf32, #tpu.memory_space<vmem_shared>>
      tpu.enqueue_dma source(%dma_start3A_23 : memref<624x128xf32, #tpu.memory_space<vmem_shared>>) target(%dma_start3A_21 : memref<624x128xf32, #tpu.memory_space<hbm>>) target_semaphore(%run_scoped3A : memref<!tpu.dma_semaphore, #tpu.memory_space<semaphore_mem>>)
      %dma_wait3A = arith.constant 0 : i32
      %dma_wait3A_24 = tpu.memref_slice %arg5[%arg0, %mul3A_14, %dma_wait3A] : memref<2x10000x128xf32, #tpu.memory_space<hbm>> -> memref<1x624x128xf32, #tpu.memory_space<hbm>>
      %dma_wait3A_25 = tpu.memref_squeeze %dma_wait3A_24 : memref<1x624x128xf32, #tpu.memory_space<hbm>> -> memref<624x128xf32, #tpu.memory_space<hbm>>
      %dma_wait3A_26 = arith.constant 0 : i32
      %dma_wait3A_27 = tpu.memref_slice %arg12[%mul3A_12, %dma_wait3A_26] : memref<10000x128xf32, #tpu.memory_space<vmem_shared>> -> memref<624x128xf32, #tpu.memory_space<vmem_shared>>
      tpu.wait_dma2 semaphore(%run_scoped3A : memref<!tpu.dma_semaphore, #tpu.memory_space<semaphore_mem>>) src(%dma_wait3A_27 : memref<624x128xf32, #tpu.memory_space<vmem_shared>>) dst(%dma_wait3A_25 : memref<624x128xf32, #tpu.memory_space<hbm>>)
      tpu.yield
    }) : () -> ()
    %eq3A_15 = arith.constant 15 : i32
    %eq3A_16 = arith.cmpi eq, %arg1, %eq3A_15 : i32
    %convert_element_type3A_17 = arith.extui %eq3A_16 : i1 to i32
    %cond3A_18 = arith.constant 0 : i32
    %cond3A_19 = arith.cmpi ne, %convert_element_type3A_17, %cond3A_18 : i32
    scf.if %cond3A_19 {
      "tpu.region"() ({
        %run_scoped3A = tpu.sem_alloc : memref<!tpu.dma_semaphore, #tpu.memory_space<semaphore_mem>>
        %dma_start3A = arith.constant 9984 : i32
        %dma_start3A_20 = arith.constant 0 : i32
        %dma_start3A_21 = tpu.memref_slice %arg5[%arg0, %dma_start3A, %dma_start3A_20] : memref<2x10000x128xf32, #tpu.memory_space<hbm>> -> memref<1x16x128xf32, #tpu.memory_space<hbm>>
        %dma_start3A_22 = tpu.memref_squeeze %dma_start3A_21 : memref<1x16x128xf32, #tpu.memory_space<hbm>> -> memref<16x128xf32, #tpu.memory_space<hbm>>
        %dma_start3A_23 = arith.constant 9984 : i32
        %dma_start3A_24 = arith.constant 0 : i32
        %dma_start3A_25 = tpu.memref_slice %arg12[%dma_start3A_23, %dma_start3A_24] : memref<10000x128xf32, #tpu.memory_space<vmem_shared>> -> memref<16x128xf32, #tpu.memory_space<vmem_shared>>
        tpu.enqueue_dma source(%dma_start3A_25 : memref<16x128xf32, #tpu.memory_space<vmem_shared>>) target(%dma_start3A_22 : memref<16x128xf32, #tpu.memory_space<hbm>>) target_semaphore(%run_scoped3A : memref<!tpu.dma_semaphore, #tpu.memory_space<semaphore_mem>>)
        %dma_wait3A = arith.constant 9984 : i32
        %dma_wait3A_26 = arith.constant 0 : i32
        %dma_wait3A_27 = tpu.memref_slice %arg5[%arg0, %dma_wait3A, %dma_wait3A_26] : memref<2x10000x128xf32, #tpu.memory_space<hbm>> -> memref<1x16x128xf32, #tpu.memory_space<hbm>>
        %dma_wait3A_28 = tpu.memref_squeeze %dma_wait3A_27 : memref<1x16x128xf32, #tpu.memory_space<hbm>> -> memref<16x128xf32, #tpu.memory_space<hbm>>
        %dma_wait3A_29 = arith.constant 9984 : i32
        %dma_wait3A_30 = arith.constant 0 : i32
        %dma_wait3A_31 = tpu.memref_slice %arg12[%dma_wait3A_29, %dma_wait3A_30] : memref<10000x128xf32, #tpu.memory_space<vmem_shared>> -> memref<16x128xf32, #tpu.memory_space<vmem_shared>>
        tpu.wait_dma2 semaphore(%run_scoped3A : memref<!tpu.dma_semaphore, #tpu.memory_space<semaphore_mem>>) src(%dma_wait3A_31 : memref<16x128xf32, #tpu.memory_space<vmem_shared>>) dst(%dma_wait3A_28 : memref<16x128xf32, #tpu.memory_space<hbm>>)
        tpu.yield
      }) : () -> ()
    } else {
    }
    return
  }
}

module attributes {stable_mosaic.version = 14 : i64} {
  func.func @_compose_body(%arg0: i32, %arg1: memref<8x8xf32, #tpu.memory_space<vmem>>, %arg2: memref<8x2048xf32, #tpu.memory_space<vmem>>, %arg3: memref<8x2048xf32, #tpu.memory_space<vmem>>) attributes {dimension_semantics = [#tpu.dimension_semantics<arbitrary>], iteration_bounds = array<i64: 8>, scalar_prefetch = 0 : i64, scratch_operands = 0 : i64, tpu.core_type = #tpu.core_type<tc>, window_params = [{pipeline_mode = #tpu.pipeline_mode<synchronous>, transform_indices = @transform_0, window_bounds = array<i64: 8, 8>}, {transform_indices = @transform_1, window_bounds = array<i64: 8, 2048>}, {transform_indices = @transform_2, window_bounds = array<i64: 8, 2048>}]} {
    %get3A = arith.constant 0 : index
    %get3A_0 = arith.constant 0 : index
    %get3A_1 = vector.load %arg1[%get3A, %get3A_0] : memref<8x8xf32, #tpu.memory_space<vmem>>, vector<8x8xf32>
    %get3A_2 = arith.constant 0 : index
    %get3A_3 = arith.constant 0 : index
    %get3A_4 = vector.load %arg2[%get3A_2, %get3A_3] : memref<8x2048xf32, #tpu.memory_space<vmem>>, vector<8x2048xf32>
    %dot_general3A = arith.constant dense<0.000000e+00> : vector<8x2048xf32>
    %dot_general3A_5 = tpu.matmul %get3A_1, %get3A_4, %dot_general3A {dimension_numbers = #tpu.dot_dimension_numbers<[1], [0], [0], [1], [0, 0, 1, 1], [], []>, transpose_lhs_hint = false} : vector<8x8xf32>, vector<8x2048xf32>, vector<8x2048xf32> -> vector<8x2048xf32>
    %swap3A = arith.constant 0 : index
    %swap3A_6 = arith.constant 0 : index
    %swap3A_7 = vector.load %arg3[%swap3A, %swap3A_6] : memref<8x2048xf32, #tpu.memory_space<vmem>>, vector<8x2048xf32>
    tpu.vector_store %arg3[%swap3A, %swap3A_6], %dot_general3A_5 {strides = array<i32>} : memref<8x2048xf32, #tpu.memory_space<vmem>>, vector<8x2048xf32>,
    return
  }
  func.func @transform_0(%arg0: i32) -> (i32, i32) {
    %c0_i32 = arith.constant 0 : i32
    %c0_i32_0 = arith.constant 0 : i32
    %c0_i32_1 = arith.constant 0 : i32
    return %c0_i32, %c0_i32_0 : i32, i32
  }
  func.func @transform_1(%arg0: i32) -> (i32, i32) {
    %c0_i32 = arith.constant 0 : i32
    %c0_i32_0 = arith.constant 0 : i32
    return %c0_i32, %arg0 : i32, i32
  }
  func.func @transform_2(%arg0: i32) -> (i32, i32) {
    %c0_i32 = arith.constant 0 : i32
    %c0_i32_0 = arith.constant 0 : i32
    return %c0_i32, %arg0 : i32, i32
  }
}

module attributes {stable_mosaic.version = 14 : i64} {
  func.func @_gidx_body(%arg0: memref<625x512xi32, #tpu.memory_space<vmem>>, %arg1: memref<625x512xi32, #tpu.memory_space<vmem>>, %arg2: memref<625x512xi32, #tpu.memory_space<vmem>>) attributes {dimension_semantics = [], scalar_prefetch = 0 : i64, scratch_operands = 0 : i64, tpu.core_type = #tpu.core_type<tc>} {
    %get3A = arith.constant 0 : index
    %get3A_0 = arith.constant 0 : index
    %get3A_1 = vector.load %arg0[%get3A, %get3A_0] : memref<625x512xi32, #tpu.memory_space<vmem>>, vector<625x512xi32>
    %mul3A = arith.constant 10000 : i32
    %mul3A_2 = vector.broadcast %mul3A : i32 to vector<625x512xi32>
    %mul3A_3 = arith.muli %get3A_1, %mul3A_2 : vector<625x512xi32>
    %get3A_4 = arith.constant 0 : index
    %get3A_5 = arith.constant 0 : index
    %get3A_6 = vector.load %arg1[%get3A_4, %get3A_5] : memref<625x512xi32, #tpu.memory_space<vmem>>, vector<625x512xi32>
    %add3A = arith.addi %mul3A_3, %get3A_6 : vector<625x512xi32>
    %add3A_7 = arith.constant 5000 : i32
    %add3A_8 = vector.broadcast %add3A_7 : i32 to vector<625x512xi32>
    %add3A_9 = arith.addi %add3A, %add3A_8 : vector<625x512xi32>
    %swap3A = arith.constant 0 : index
    %swap3A_10 = arith.constant 0 : index
    %swap3A_11 = vector.load %arg2[%swap3A, %swap3A_10] : memref<625x512xi32, #tpu.memory_space<vmem>>, vector<625x512xi32>
    tpu.vector_store %arg2[%swap3A, %swap3A_10], %add3A_9 {strides = array<i32>} : memref<625x512xi32, #tpu.memory_space<vmem>>, vector<625x512xi32>,
    return
  }
}

module attributes {stable_mosaic.version = 14 : i64} {
  func.func @_transform_body(%arg0: i32, %arg1: memref<5000x128xf32, #tpu.memory_space<vmem>>, %arg2: memref<1x128x128xf32, #tpu.memory_space<vmem>>, %arg3: memref<5000x128xf32, #tpu.memory_space<vmem>>) attributes {dimension_semantics = [#tpu.dimension_semantics<arbitrary>], iteration_bounds = array<i64: 17>, scalar_prefetch = 0 : i64, scratch_operands = 0 : i64, tpu.core_type = #tpu.core_type<tc>, window_params = [{transform_indices = @transform_0, window_bounds = array<i64: 5000, 128>}, {transform_indices = @transform_1, window_bounds = array<i64: 1, 128, 128>}, {transform_indices = @transform_2, window_bounds = array<i64: 5000, 128>}]} {
    %eq3A = arith.constant 0 : i32
    %eq3A_0 = arith.cmpi eq, %arg0, %eq3A : i32
    %convert_element_type3A = arith.extui %eq3A_0 : i1 to i32
    %cond3A = arith.constant 0 : i32
    %cond3A_1 = arith.cmpi ne, %convert_element_type3A, %cond3A : i32
    scf.if %cond3A_1 {
      %broadcast_in_dim3A = arith.constant 0.000000e+00 : f32
      %broadcast_in_dim3A_6 = vector.broadcast %broadcast_in_dim3A : f32 to vector<5000x128xf32>
      %swap3A = arith.constant 0 : index
      %swap3A_7 = arith.constant 0 : index
      %swap3A_8 = vector.load %arg3[%swap3A, %swap3A_7] : memref<5000x128xf32, #tpu.memory_space<vmem>>, vector<5000x128xf32>
      tpu.vector_store %arg3[%swap3A, %swap3A_7], %broadcast_in_dim3A_6 {strides = array<i32>} : memref<5000x128xf32, #tpu.memory_space<vmem>>, vector<5000x128xf32>,
    } else {
    }
    %gt3A = arith.constant 0 : i32
    %gt3A_2 = arith.cmpi sgt, %arg0, %gt3A : i32
    %convert_element_type3A_3 = arith.extui %gt3A_2 : i1 to i32
    %cond3A_4 = arith.constant 0 : i32
    %cond3A_5 = arith.cmpi ne, %convert_element_type3A_3, %cond3A_4 : i32
    scf.if %cond3A_5 {
      %get3A = arith.constant 0 : index
      %get3A_6 = arith.constant 0 : index
      %get3A_7 = vector.load %arg1[%get3A, %get3A_6] : memref<5000x128xf32, #tpu.memory_space<vmem>>, vector<5000x128xf32>
      %get3A_8 = arith.constant 0 : index
      %get3A_9 = arith.constant 0 : index
      %get3A_10 = arith.constant 0 : index
      %get3A_11 = vector.load %arg2[%get3A_8, %get3A_9, %get3A_10] : memref<1x128x128xf32, #tpu.memory_space<vmem>>, vector<1x128x128xf32>
      %get3A_12 = vector.shape_cast %get3A_11 : vector<1x128x128xf32> to vector<128x128xf32>
      %dot_general3A = arith.constant dense<0.000000e+00> : vector<5000x128xf32>
      %dot_general3A_13 = tpu.matmul %get3A_7, %get3A_12, %dot_general3A {dimension_numbers = #tpu.dot_dimension_numbers<[1], [0], [0], [1], [0, 0, 1, 1], [], []>, transpose_lhs_hint = false} : vector<5000x128xf32>, vector<128x128xf32>, vector<5000x128xf32> -> vector<5000x128xf32>
      %swap3A = arith.constant 0 : index
      %swap3A_14 = arith.constant 0 : index
      %swap3A_15 = vector.load %arg3[%swap3A, %swap3A_14] : memref<5000x128xf32, #tpu.memory_space<vmem>>, vector<5000x128xf32>
      tpu.vector_store %arg3[%swap3A, %swap3A_14], %dot_general3A_13 {strides = array<i32>} : memref<5000x128xf32, #tpu.memory_space<vmem>>, vector<5000x128xf32>,
    } else {
    }
    return
  }
  func.func @transform_0(%arg0: i32) -> (i32, i32) {
    %sub3A = arith.constant 1 : i32
    %sub3A_0 = arith.subi %arg0, %sub3A : i32
    %max3A = arith.constant 0 : i32
    %max3A_1 = arith.maxsi %sub3A_0, %max3A : i32
    %jit3A = arith.constant 8 : i32
    %div3A = arith.divsi %max3A_1, %jit3A : i32
    %sign3A = arith.constant 0 : i32
    %sign3A_2 = arith.cmpi sgt, %max3A_1, %sign3A : i32
    %sign3A_3 = arith.extui %sign3A_2 : i1 to i32
    %sign3A_4 = arith.constant 0 : i32
    %sign3A_5 = arith.cmpi slt, %max3A_1, %sign3A_4 : i32
    %sign3A_6 = arith.extui %sign3A_5 : i1 to i32
    %sign3A_7 = arith.subi %sign3A_3, %sign3A_6 : i32
    %sign3A_8 = arith.constant 0 : i32
    %sign3A_9 = arith.cmpi sgt, %jit3A, %sign3A_8 : i32
    %sign3A_10 = arith.extui %sign3A_9 : i1 to i32
    %sign3A_11 = arith.constant 0 : i32
    %sign3A_12 = arith.cmpi slt, %jit3A, %sign3A_11 : i32
    %sign3A_13 = arith.extui %sign3A_12 : i1 to i32
    %sign3A_14 = arith.subi %sign3A_10, %sign3A_13 : i32
    %ne3A = arith.cmpi ne, %sign3A_7, %sign3A_14 : i32
    %rem3A = arith.remsi %max3A_1, %jit3A : i32
    %ne3A_15 = arith.constant 0 : i32
    %ne3A_16 = arith.cmpi ne, %rem3A, %ne3A_15 : i32
    %and3A = arith.andi %ne3A, %ne3A_16 : i1
    %sub3A_17 = arith.constant 1 : i32
    %sub3A_18 = arith.subi %div3A, %sub3A_17 : i32
    %select_n3A = arith.select %and3A, %sub3A_18, %div3A : i32
    %c0_i32 = arith.constant 0 : i32
    %c0_i32_19 = arith.constant 0 : i32
    return %select_n3A, %c0_i32 : i32, i32
  }
  func.func @transform_1(%arg0: i32) -> (i32, i32, i32) {
    %sub3A = arith.constant 1 : i32
    %sub3A_0 = arith.subi %arg0, %sub3A : i32
    %max3A = arith.constant 0 : i32
    %max3A_1 = arith.maxsi %sub3A_0, %max3A : i32
    %jit3A = arith.constant 8 : i32
    %eq3A = arith.constant 0 : i32
    %eq3A_2 = arith.cmpi eq, %jit3A, %eq3A : i32
    %jit3A_3 = arith.constant 1 : i32
    %select_n3A = arith.select %eq3A_2, %jit3A_3, %jit3A : i32
    %rem3A = arith.remsi %max3A_1, %select_n3A : i32
    %ne3A = arith.constant 0 : i32
    %ne3A_4 = arith.cmpi ne, %rem3A, %ne3A : i32
    %lt3A = arith.constant 0 : i32
    %lt3A_5 = arith.cmpi slt, %rem3A, %lt3A : i32
    %lt3A_6 = arith.constant 0 : i32
    %lt3A_7 = arith.cmpi slt, %select_n3A, %lt3A_6 : i32
    %ne3A_8 = arith.xori %lt3A_5, %lt3A_7 : i1
    %and3A = arith.andi %ne3A_8, %ne3A_4 : i1
    %add3A = arith.addi %rem3A, %select_n3A : i32
    %select_n3A_9 = arith.select %and3A, %add3A, %rem3A : i32
    %c0_i32 = arith.constant 0 : i32
    %c0_i32_10 = arith.constant 0 : i32
    %c0_i32_11 = arith.constant 0 : i32
    return %select_n3A_9, %c0_i32, %c0_i32_10 : i32, i32, i32
  }
  func.func @transform_2(%arg0: i32) -> (i32, i32) {
    %eq3A = arith.constant 0 : i32
    %eq3A_0 = arith.cmpi eq, %arg0, %eq3A : i32
    %sub3A = arith.constant 1 : i32
    %sub3A_1 = arith.subi %arg0, %sub3A : i32
    %max3A = arith.constant 0 : i32
    %max3A_2 = arith.maxsi %sub3A_1, %max3A : i32
    %jit3A = arith.constant 8 : i32
    %eq3A_3 = arith.constant 0 : i32
    %eq3A_4 = arith.cmpi eq, %jit3A, %eq3A_3 : i32
    %jit3A_5 = arith.constant 1 : i32
    %select_n3A = arith.select %eq3A_4, %jit3A_5, %jit3A : i32
    %rem3A = arith.remsi %max3A_2, %select_n3A : i32
    %ne3A = arith.constant 0 : i32
    %ne3A_6 = arith.cmpi ne, %rem3A, %ne3A : i32
    %lt3A = arith.constant 0 : i32
    %lt3A_7 = arith.cmpi slt, %rem3A, %lt3A : i32
    %lt3A_8 = arith.constant 0 : i32
    %lt3A_9 = arith.cmpi slt, %select_n3A, %lt3A_8 : i32
    %ne3A_10 = arith.xori %lt3A_7, %lt3A_9 : i1
    %and3A = arith.andi %ne3A_10, %ne3A_6 : i1
    %add3A = arith.addi %rem3A, %select_n3A : i32
    %select_n3A_11 = arith.select %and3A, %add3A, %rem3A : i32
    %mul3A = arith.constant 2 : i32
    %mul3A_12 = arith.muli %select_n3A_11, %mul3A : i32
    %add3A_13 = arith.constant 1 : i32
    %add3A_14 = arith.addi %add3A_13, %mul3A_12 : i32
    %sub3A_15 = arith.constant 1 : i32
    %sub3A_16 = arith.subi %arg0, %sub3A_15 : i32
    %max3A_17 = arith.constant 0 : i32
    %max3A_18 = arith.maxsi %sub3A_16, %max3A_17 : i32
    %jit3A_19 = arith.constant 8 : i32
    %div3A = arith.divsi %max3A_18, %jit3A_19 : i32
    %sign3A = arith.constant 0 : i32
    %sign3A_20 = arith.cmpi sgt, %max3A_18, %sign3A : i32
    %sign3A_21 = arith.extui %sign3A_20 : i1 to i32
    %sign3A_22 = arith.constant 0 : i32
    %sign3A_23 = arith.cmpi slt, %max3A_18, %sign3A_22 : i32
    %sign3A_24 = arith.extui %sign3A_23 : i1 to i32
    %sign3A_25 = arith.subi %sign3A_21, %sign3A_24 : i32
    %sign3A_26 = arith.constant 0 : i32
    %sign3A_27 = arith.cmpi sgt, %jit3A_19, %sign3A_26 : i32
    %sign3A_28 = arith.extui %sign3A_27 : i1 to i32
    %sign3A_29 = arith.constant 0 : i32
    %sign3A_30 = arith.cmpi slt, %jit3A_19, %sign3A_29 : i32
    %sign3A_31 = arith.extui %sign3A_30 : i1 to i32
    %sign3A_32 = arith.subi %sign3A_28, %sign3A_31 : i32
    %ne3A_33 = arith.cmpi ne, %sign3A_25, %sign3A_32 : i32
    %rem3A_34 = arith.remsi %max3A_18, %jit3A_19 : i32
    %ne3A_35 = arith.constant 0 : i32
    %ne3A_36 = arith.cmpi ne, %rem3A_34, %ne3A_35 : i32
    %and3A_37 = arith.andi %ne3A_33, %ne3A_36 : i1
    %sub3A_38 = arith.constant 1 : i32
    %sub3A_39 = arith.subi %div3A, %sub3A_38 : i32
    %select_n3A_40 = arith.select %and3A_37, %sub3A_39, %div3A : i32
    %add3A_41 = arith.addi %add3A_14, %select_n3A_40 : i32
    %jit3A_42 = arith.constant 0 : i32
    %select_n3A_43 = arith.select %eq3A_0, %jit3A_42, %add3A_41 : i32
    %c0_i32 = arith.constant 0 : i32
    %c0_i32_44 = arith.constant 0 : i32
    return %select_n3A_43, %c0_i32 : i32, i32
  }
}

module attributes {stable_mosaic.version = 14 : i64} {
  func.func @_combine_body(%arg0: i32, %arg1: memref<2x5000x128xf32, #tpu.memory_space<vmem>>, %arg2: memref<5000x128xf32, #tpu.memory_space<vmem>>, %arg3: memref<128x128xf32, #tpu.memory_space<vmem>>, %arg4: memref<1x128xf32, #tpu.memory_space<vmem>>, %arg5: memref<5000x128xf32, #tpu.memory_space<vmem>>) attributes {dimension_semantics = [#tpu.dimension_semantics<arbitrary>], iteration_bounds = array<i64: 2>, scalar_prefetch = 0 : i64, scratch_operands = 0 : i64, tpu.core_type = #tpu.core_type<tc>, window_params = [{transform_indices = @transform_0, window_bounds = array<i64: 2, 5000, 128>}, {transform_indices = @transform_1, window_bounds = array<i64: 5000, 128>}, {pipeline_mode = #tpu.pipeline_mode<synchronous>, transform_indices = @transform_2, window_bounds = array<i64: 128, 128>}, {pipeline_mode = #tpu.pipeline_mode<synchronous>, transform_indices = @transform_3, window_bounds = array<i64: 1, 128>}, {transform_indices = @transform_4, window_bounds = array<i64: 5000, 128>}]} {
    %get3A = arith.constant 0 : index
    %get3A_0 = arith.constant 0 : index
    %get3A_1 = vector.load %arg2[%get3A, %get3A_0] : memref<5000x128xf32, #tpu.memory_space<vmem>>, vector<5000x128xf32>
    %get3A_2 = arith.constant 0 : index
    %get3A_3 = arith.constant 0 : index
    %get3A_4 = vector.load %arg3[%get3A_2, %get3A_3] : memref<128x128xf32, #tpu.memory_space<vmem>>, vector<128x128xf32>
    %dot_general3A = arith.constant dense<0.000000e+00> : vector<5000x128xf32>
    %dot_general3A_5 = tpu.matmul %get3A_1, %get3A_4, %dot_general3A {dimension_numbers = #tpu.dot_dimension_numbers<[1], [0], [0], [1], [0, 0, 1, 1], [], []>, transpose_lhs_hint = false} : vector<5000x128xf32>, vector<128x128xf32>, vector<5000x128xf32> -> vector<5000x128xf32>
    %get3A_6 = arith.constant 0 : index
    %get3A_7 = arith.constant 0 : index
    %get3A_8 = arith.constant 0 : index
    %get3A_9 = vector.load %arg1[%get3A_6, %get3A_7, %get3A_8] : memref<2x5000x128xf32, #tpu.memory_space<vmem>>, vector<1x5000x128xf32>
    %get3A_10 = vector.shape_cast %get3A_9 : vector<1x5000x128xf32> to vector<5000x128xf32>
    %get3A_11 = arith.constant 1 : index
    %get3A_12 = arith.constant 0 : index
    %get3A_13 = arith.constant 0 : index
    %get3A_14 = vector.load %arg1[%get3A_11, %get3A_12, %get3A_13] : memref<2x5000x128xf32, #tpu.memory_space<vmem>>, vector<1x5000x128xf32>
    %get3A_15 = vector.shape_cast %get3A_14 : vector<1x5000x128xf32> to vector<5000x128xf32>
    %add3A = arith.addf %get3A_10, %get3A_15 : vector<5000x128xf32>
    %add3A_16 = arith.addf %add3A, %dot_general3A_5 : vector<5000x128xf32>
    %get3A_17 = arith.constant 0 : index
    %get3A_18 = arith.constant 0 : index
    %get3A_19 = vector.load %arg4[%get3A_17, %get3A_18] : memref<1x128xf32, #tpu.memory_space<vmem>>, vector<1x128xf32>
    %add3A_20 = vector.broadcast %get3A_19 : vector<1x128xf32> to vector<5000x128xf32>
    %add3A_21 = arith.addf %add3A_16, %add3A_20 : vector<5000x128xf32>
    %max3A = arith.constant 0.000000e+00 : f32
    %max3A_22 = vector.broadcast %max3A : f32 to vector<5000x128xf32>
    %max3A_23 = arith.maximumf %add3A_21, %max3A_22 : vector<5000x128xf32>
    %swap3A = arith.constant 0 : index
    %swap3A_24 = arith.constant 0 : index
    %swap3A_25 = vector.load %arg5[%swap3A, %swap3A_24] : memref<5000x128xf32, #tpu.memory_space<vmem>>, vector<5000x128xf32>
    tpu.vector_store %arg5[%swap3A, %swap3A_24], %max3A_23 {strides = array<i32>} : memref<5000x128xf32, #tpu.memory_space<vmem>>, vector<5000x128xf32>,
    return
  }
  func.func @transform_0(%arg0: i32) -> (i32, i32, i32) {
    %c0_i32 = arith.constant 0 : i32
    %c0_i32_0 = arith.constant 0 : i32
    %c0_i32_1 = arith.constant 0 : i32
    return %c0_i32, %arg0, %c0_i32_0 : i32, i32, i32
  }
  func.func @transform_1(%arg0: i32) -> (i32, i32) {
    %c0_i32 = arith.constant 0 : i32
    %c0_i32_0 = arith.constant 0 : i32
    return %arg0, %c0_i32 : i32, i32
  }
  func.func @transform_2(%arg0: i32) -> (i32, i32) {
    %c0_i32 = arith.constant 0 : i32
    %c0_i32_0 = arith.constant 0 : i32
    %c0_i32_1 = arith.constant 0 : i32
    return %c0_i32, %c0_i32_0 : i32, i32
  }
  func.func @transform_3(%arg0: i32) -> (i32, i32) {
    %c0_i32 = arith.constant 0 : i32
    %c0_i32_0 = arith.constant 0 : i32
    %c0_i32_1 = arith.constant 0 : i32
    return %c0_i32, %c0_i32_0 : i32, i32
  }
  func.func @transform_4(%arg0: i32) -> (i32, i32) {
    %c0_i32 = arith.constant 0 : i32
    %c0_i32_0 = arith.constant 0 : i32
    return %arg0, %c0_i32 : i32, i32
  }
}

module attributes {stable_mosaic.version = 14 : i64} {
  func.func @_combine_body(%arg0: i32, %arg1: memref<2x5000x128xf32, #tpu.memory_space<vmem>>, %arg2: memref<5000x128xf32, #tpu.memory_space<vmem>>, %arg3: memref<128x128xf32, #tpu.memory_space<vmem>>, %arg4: memref<1x128xf32, #tpu.memory_space<vmem>>, %arg5: memref<5000x128xf32, #tpu.memory_space<vmem>>) attributes {dimension_semantics = [#tpu.dimension_semantics<arbitrary>], iteration_bounds = array<i64: 2>, scalar_prefetch = 0 : i64, scratch_operands = 0 : i64, tpu.core_type = #tpu.core_type<tc>, window_params = [{transform_indices = @transform_0, window_bounds = array<i64: 2, 5000, 128>}, {transform_indices = @transform_1, window_bounds = array<i64: 5000, 128>}, {pipeline_mode = #tpu.pipeline_mode<synchronous>, transform_indices = @transform_2, window_bounds = array<i64: 128, 128>}, {pipeline_mode = #tpu.pipeline_mode<synchronous>, transform_indices = @transform_3, window_bounds = array<i64: 1, 128>}, {transform_indices = @transform_4, window_bounds = array<i64: 5000, 128>}]} {
    %get3A = arith.constant 0 : index
    %get3A_0 = arith.constant 0 : index
    %get3A_1 = vector.load %arg2[%get3A, %get3A_0] : memref<5000x128xf32, #tpu.memory_space<vmem>>, vector<5000x128xf32>
    %get3A_2 = arith.constant 0 : index
    %get3A_3 = arith.constant 0 : index
    %get3A_4 = vector.load %arg3[%get3A_2, %get3A_3] : memref<128x128xf32, #tpu.memory_space<vmem>>, vector<128x128xf32>
    %dot_general3A = arith.constant dense<0.000000e+00> : vector<5000x128xf32>
    %dot_general3A_5 = tpu.matmul %get3A_1, %get3A_4, %dot_general3A {dimension_numbers = #tpu.dot_dimension_numbers<[1], [0], [0], [1], [0, 0, 1, 1], [], []>, transpose_lhs_hint = false} : vector<5000x128xf32>, vector<128x128xf32>, vector<5000x128xf32> -> vector<5000x128xf32>
    %get3A_6 = arith.constant 0 : index
    %get3A_7 = arith.constant 0 : index
    %get3A_8 = arith.constant 0 : index
    %get3A_9 = vector.load %arg1[%get3A_6, %get3A_7, %get3A_8] : memref<2x5000x128xf32, #tpu.memory_space<vmem>>, vector<1x5000x128xf32>
    %get3A_10 = vector.shape_cast %get3A_9 : vector<1x5000x128xf32> to vector<5000x128xf32>
    %get3A_11 = arith.constant 1 : index
    %get3A_12 = arith.constant 0 : index
    %get3A_13 = arith.constant 0 : index
    %get3A_14 = vector.load %arg1[%get3A_11, %get3A_12, %get3A_13] : memref<2x5000x128xf32, #tpu.memory_space<vmem>>, vector<1x5000x128xf32>
    %get3A_15 = vector.shape_cast %get3A_14 : vector<1x5000x128xf32> to vector<5000x128xf32>
    %add3A = arith.addf %get3A_10, %get3A_15 : vector<5000x128xf32>
    %add3A_16 = arith.addf %add3A, %dot_general3A_5 : vector<5000x128xf32>
    %get3A_17 = arith.constant 0 : index
    %get3A_18 = arith.constant 0 : index
    %get3A_19 = vector.load %arg4[%get3A_17, %get3A_18] : memref<1x128xf32, #tpu.memory_space<vmem>>, vector<1x128xf32>
    %add3A_20 = vector.broadcast %get3A_19 : vector<1x128xf32> to vector<5000x128xf32>
    %add3A_21 = arith.addf %add3A_16, %add3A_20 : vector<5000x128xf32>
    %max3A = arith.constant 0.000000e+00 : f32
    %max3A_22 = vector.broadcast %max3A : f32 to vector<5000x128xf32>
    %max3A_23 = arith.maximumf %add3A_21, %max3A_22 : vector<5000x128xf32>
    %swap3A = arith.constant 0 : index
    %swap3A_24 = arith.constant 0 : index
    %swap3A_25 = vector.load %arg5[%swap3A, %swap3A_24] : memref<5000x128xf32, #tpu.memory_space<vmem>>, vector<5000x128xf32>
    tpu.vector_store %arg5[%swap3A, %swap3A_24], %max3A_23 {strides = array<i32>} : memref<5000x128xf32, #tpu.memory_space<vmem>>, vector<5000x128xf32>,
    return
  }
  func.func @transform_0(%arg0: i32) -> (i32, i32, i32) {
    %c0_i32 = arith.constant 0 : i32
    %c0_i32_0 = arith.constant 0 : i32
    %c0_i32_1 = arith.constant 0 : i32
    return %c0_i32, %arg0, %c0_i32_0 : i32, i32, i32
  }
  func.func @transform_1(%arg0: i32) -> (i32, i32) {
    %c0_i32 = arith.constant 0 : i32
    %c0_i32_0 = arith.constant 0 : i32
    return %arg0, %c0_i32 : i32, i32
  }
  func.func @transform_2(%arg0: i32) -> (i32, i32) {
    %c0_i32 = arith.constant 0 : i32
    %c0_i32_0 = arith.constant 0 : i32
    %c0_i32_1 = arith.constant 0 : i32
    return %c0_i32, %c0_i32_0 : i32, i32
  }
  func.func @transform_3(%arg0: i32) -> (i32, i32) {
    %c0_i32 = arith.constant 0 : i32
    %c0_i32_0 = arith.constant 0 : i32
    %c0_i32_1 = arith.constant 0 : i32
    return %c0_i32, %c0_i32_0 : i32, i32
  }
  func.func @transform_4(%arg0: i32) -> (i32, i32) {
    %c0_i32 = arith.constant 0 : i32
    %c0_i32_0 = arith.constant 0 : i32
    return %arg0, %c0_i32 : i32, i32
  }
}

</mosaic_0001>

<sc_bundles>
// kernel: kernel.11.cloned.1.call-start
scs
__scs_entry_jumppad:
0x0: {  	(pc) =	sbr.rel $0x88, $3  }
0x1: {  	(tag) =	ssettag $0x0;
	lr =	simm.s32 $0x1  }
0x2: {  	[smem:$0x3F96] =	sst lr;
	_ =	strace $0xD0000000  }
0x3: {  	_ = 	snop  }
0x4: {  	_ = 	snop  }
0x5: {  	_ = 	snop  }
0x6: {  	_ = 	snop  }
0x7: {  	_ = 	snop  }
__scs_overlays_trampoline_lowered:
0x8: {  	[smem:$0x3FA5] =	sst s0  }
0x9: {  	[smem:$0x3FA6] =	sst s1  }
0xa: {  	[smem:$0x3FA7] =	sst s2  }
0xb: {  	[smem:$0x3FA8] =	sst s3  }
0xc: {  	[smem:$0x3FA9] =	sst s4  }
0xd: {  	[smem:$0x3FAA] =	sst s5  }
0xe: {  	[smem:$0x3FAB] =	sst s6  }
0xf: {  	[smem:$0x3FAC] =	sst s7  }
0x10: {  	[smem:$0x3FAD] =	sst s8  }
0x11: {  	[smem:$0x3FAE] =	sst s9;
	s0 =	simm.s32 @!p0 $0x0  }
0x12: {  	s1 =	sld [smem:$0x3F94];
	s0 =	simm.s32 @p0 $0x1  }
0x13: {  	[smem:$0x3FAF] =	sst s0;
	s0 =	simm.s32 @!p1 $0x0  }
0x14: {  	s2 =	sld [smem:$0x3F93];
	s0 =	simm.s32 @p1 $0x1  }
0x15: {  	[smem:$0x3FB0] =	sst s0;
	s0 =	simm.s32 @!p2 $0x0  }
0x16: {  	s3 =	sld [smem:$0x3FDB];
	s0 =	simm.s32 @p2 $0x1  }
0x17: {  	s4 =	simm.s32 $0x1BF5;
	[smem:$0x3FB2] =	sst s0  }
0x18: {  	s0 =	sld [smem:$0x3F95];
	_ =	swait.ge [sflag:s4], $0x0  }
0x19: {  	s7 =	sld [smem:$0x3F96]  }
0x1a: {  	s8 =	sadd.s32 $0xFFFFE003, lr  }
0x1b: {  	s9 =	sadd.s32 $0xFFFFFEF7, lr;
	s5 =	simm.s32 $0xFFFFFFFF;
	p2 =	slt.u32 s8, $0xFFFFF086  }
0x1c: {  	p1 =	slt.u32 s9, $0xF7A;
	s5 =	simm.s32 @!p2 $0x0  }
0x1d: {  	s5 =	simm.s32 @p1 $0x1;
	p0 =	seq.s32 s7, s2  }
0x1e: {  	s7 =	smul.u32 @!p0 $0xF7A, s2;
	p2 =	seq.s32 @!p0 s5, $0x0  }
0x1f: {  	s9 =	smul.u32 $0xF7A, s1;
	s8 =	simm.s32 @!p0 $0x1BF5;
	p2 =	por !p2, p0  }
0x20: {  	[sflag:s8] =	ssyncset.s32 @!p0 $0xFFFFF086;
	s6 =	sadd.s32 @!p0 s3, s7;
	s7 =	simm.s32 @!p0 $0x108  }
0x21: {  	s3 =	sadd.s32 s3, s9;
	s6 =	sadd.s32 @!p0 $0x88, s6;
	s7 =	simm.s32 @p2 $0x1082  }
0x22: {  	[simem:s7], [sflag:s8] =	dma.local @!p0 [hbm:s6], $0xF7A  }
0x23: {  	s9 =	sor.u32 $0xD0000000, s2;
	s6 =	simm.s32 $0x108;
	_ =	swait.ge @!p0 [sflag:s8], $0x0  }
0x24: {  	s3 =	sadd.s32 $0x88, s3;
	s6 =	simm.s32 @!p1 $0x1082;
	[sflag:s4] =	ssyncset.s32 $0xFFFFF086  }
0x25: {  	[simem:s6], [sflag:s4] =	dma.local [hbm:s3], $0xF7A  }
0x26: {  	[smem:$0x3F96] =	sst s1;
	(tag) =	ssettag s2;
	_ =	strace s9  }
0x27: {  	s1 =	sld [smem:$0x3FA6]  }
0x28: {  	s2 =	sld [smem:$0x3FA7]  }
0x29: {  	s4 =	sld [smem:$0x3FA9]  }
0x2a: {  	p0 =	seq.s32 s5, $0x0;
	s5 =	sld [smem:$0x3FAA]  }
0x2b: {  	s6 =	sld [smem:$0x3FAB]  }
0x2c: {  	s7 =	sld [smem:$0x3FAC]  }
0x2d: {  	s3 =	simm.s32 $0x108;
	s8 =	sld [smem:$0x3FAD]  }
0x2e: {  	s3 =	simm.s32 @!p0 $0x1082;
	s9 =	sld [smem:$0x3FAE]  }
0x2f: {  	lr =	sadd.s32 s0, s3;
	s0 =	sld [smem:$0x3FA5]  }
0x30: {  	s3 =	sld [smem:$0x3FA8]  }
0x31: {  	[smem:$0x3FB1] =	sst s10  }
0x32: {  	s10 =	sld [smem:$0x3FAF];
	_ =	sdelay $0x3  }
0x33: {  	p0 =	seq.s32 s10, $0x1;
	s10 =	sld [smem:$0x3FB1];
	_ =	sdelay $0x3  }
0x34: {  	[smem:$0x3FB1] =	sst s10  }
0x35: {  	s10 =	sld [smem:$0x3FB0];
	_ =	sdelay $0x3  }
0x36: {  	p1 =	seq.s32 s10, $0x1;
	s10 =	sld [smem:$0x3FB1];
	_ =	sdelay $0x3  }
0x37: {  	[smem:$0x3FB1] =	sst s10  }
0x38: {  	s10 =	sld [smem:$0x3FB2]  }
0x39: {  	_ = 	snop;
	(pc) =	sbr.ind lr, $3  }
0x3a: {  	_ = 	snop  }
0x3b: {  	_ = 	snop  }
0x3c: {  	p2 =	seq.s32 s10, $0x1;
	s10 =	sld [smem:$0x3FB1]  }
0x3d: {  	_ =	shalt  }
0x3e: {  	_ =	shalt  }
0x3f: {  	_ =	shalt  }
0x40: {  	_ =	shalt  }
0x41: {  	_ =	shalt  }
0x42: {  	_ =	shalt  }
0x43: {  	_ =	shalt  }
0x44: {  	_ =	shalt  }
0x45: {  	_ =	shalt  }
0x46: {  	_ =	shalt  }
0x47: {  	_ =	shalt  }
0x48: {  	_ =	shalt  }
0x49: {  	_ =	shalt  }
0x4a: {  	_ =	shalt  }
0x4b: {  	_ =	shalt  }
0x4c: {  	_ =	shalt  }
0x4d: {  	_ =	shalt  }
0x4e: {  	_ =	shalt  }
0x4f: {  	_ =	shalt  }
0x50: {  	_ =	shalt  }
0x51: {  	_ =	shalt  }
0x52: {  	_ =	shalt  }
0x53: {  	_ =	shalt  }
0x54: {  	_ =	shalt  }
0x55: {  	_ =	shalt  }
0x56: {  	_ =	shalt  }
0x57: {  	_ =	shalt  }
0x58: {  	_ =	shalt  }
0x59: {  	_ =	shalt  }
0x5a: {  	_ =	shalt  }
0x5b: {  	_ =	shalt  }
0x5c: {  	_ =	shalt  }
0x5d: {  	_ =	shalt  }
0x5e: {  	_ =	shalt  }
0x5f: {  	_ =	shalt  }
0x60: {  	_ =	shalt  }
0x61: {  	_ =	shalt  }
0x62: {  	_ =	shalt  }
0x63: {  	_ =	shalt  }
0x64: {  	_ =	shalt  }
0x65: {  	_ =	shalt  }
0x66: {  	_ =	shalt  }
0x67: {  	_ =	shalt  }
0x68: {  	_ =	shalt  }
0x69: {  	_ =	shalt  }
0x6a: {  	_ =	shalt  }
0x6b: {  	_ =	shalt  }
0x6c: {  	_ =	shalt  }
0x6d: {  	_ =	shalt  }
0x6e: {  	_ =	shalt  }
0x6f: {  	_ =	shalt  }
0x70: {  	_ =	shalt  }
0x71: {  	_ =	shalt  }
0x72: {  	_ =	shalt  }
0x73: {  	_ =	shalt  }
0x74: {  	_ =	shalt  }
0x75: {  	_ =	shalt  }
0x76: {  	_ =	shalt  }
0x77: {  	_ =	shalt  }
0x78: {  	_ =	shalt  }
0x79: {  	_ =	shalt  }
0x7a: {  	_ =	shalt  }
0x7b: {  	_ =	shalt  }
0x7c: {  	_ =	shalt  }
0x7d: {  	_ =	shalt  }
0x7e: {  	_ =	shalt  }
0x7f: {  	_ =	shalt  }
0x80: {  	_ =	shalt  }
0x81: {  	_ =	shalt  }
0x82: {  	_ =	shalt  }
0x83: {  	_ =	shalt  }
0x84: {  	_ =	shalt  }
0x85: {  	_ =	shalt  }
0x86: {  	_ =	shalt  }
0x87: {  	_ =	shalt  }
.Lfunc_end0:
.L_simem_size_0:
called_computation_lowered:
.L_overlay_start_0:
0x88: {  	s2 =	sld [smem:$0x3FD9]  }
0x89: {  	s3 =	sld [smem:$0x3FFE];
	_ =	sdelay $0x1  }
0x8a: {  	s1 =	srdreg.scid  }
0x8b: {  	s0 =	sand.u32 $0x1, s1  }
0x8c: {  	s17 =	sshll.u32 s0, $0xA;
	s2 =	sadd.s32 s3, s2  }
0x8d: {  	s2 =	sadd.s32 s2, s17  }
0x8e: {  	[smem:$0x3FBD] =	sst s2  }
0x8f: {  	_ = 	snop  }
0x90: {  	s2 =	sld [smem:$0x3FD0];
	(tm) =	ssettm $0x1  }
0x91: {  	s18 =	sld [smem:$0x3FFB];
	_ =	sdelay $0x3  }
0x92: {  	_ =	strace s18  }
0x93: {  	s3 =	sld [smem:$0x3FFC];
	_ =	sdelay $0x3  }
0x94: {  	_ =	strace s3  }
0x95: {  	s3 =	sld [smem:$0x3FFD];
	_ =	sdelay $0x3  }
0x96: {  	_ =	strace s3  }
0x97: {  	_ =	strace $0x8FFFFFFF  }
0x98: {  	s19 =	sld [smem:$0x3FDB];
	_ =	sdelay $0x1  }
0x99: {  	s4 =	simm.s32 $_scs_section_size  }
0x9a: {  	s5 =	simm.s32 $_size__tile_overlayer_lowered;
	s6 =	simm.s32 $_tile_overlayer_lowered  }
0x9b: {  	s22 =	simm.s32 $0x1BFF;
	s21 =	sshll.u32 s6, $0x1;
	s3 =	sadd.s32 s4, s19  }
0x9c: {  	s7 =	simm.s32 $0x0;
	s20 =	sshll.u32 s5, $0x1;
	s5 =	sadd.s32 s21, s3  }
0x9d: {  	[timem:s7], [sflag:s22] =	dma.local [hbm:s5], s20  }
0x9e: {  	_ =	swait.ge [sflag:s22], s20  }
0x9f: {  	s4 =	ssub.s32 $0x0, s20;
	[sflag:s22] =	ssyncset.done $0x0  }
0xa0: {  	[sflag:s22] =	ssyncadd.s32 s4;
	_ =	sdelay $0x1  }
0xa1: {  	s23 =	simm.s32 $0x1B8B  }
0xa2: {  	_ =	swait.ge [sflag:s23], $0x1  }
0xa3: {  	[sflag:s23] =	ssyncset.done $0x0  }
0xa4: {  	s25 =	simm.s32 $0x1B8E;
	s24 =	sld [smem:$0x3FFE];
	[sflag:s23] =	ssyncadd.s32 $0xFFFFFFFF  }
0xa5: {  	s26 =	simm.s32 $execute0_lowered;
	[smem:$0x3FD2] =	sst s25  }
0xa6: {  	s5 =	sshll.u32 s26, $0x1;
	_ =	strace $0x80000046;
	[dreg:$0x1] =	wrdreg $0xFFFFFFFF  }
0xa7: {  	s28 =	simm.s32 $_size_execute0_lowered;
	s3 =	sadd.s32 s3, s5;
	[dreg:$0x0] =	wrdreg $0x0  }
0xa8: {  	s5 =	sshll.u32 s28, $0x1;
	[dreg:$0x2] =	wrdreg s3  }
0xa9: {  	[dreg:$0x3] =	wrdreg s5  }
0xaa: {  	[dreg:$0x4] =	wrdreg $0xC0  }
0xab: {  	_ =	task [dreg:s7], $0x5FFFF  }
0xac: {  	[dreg:$0x1] =	wrdreg $0xFFFFFFFF  }
0xad: {  	[dreg:$0x0] =	wrdreg $0x60  }
0xae: {  	[dreg:$0x2] =	wrdreg s24  }
0xaf: {  	[dreg:$0x3] =	wrdreg s2  }
0xb0: {  	[dreg:$0x4] =	wrdreg $0xA0000  }
0xb1: {  	[dreg:$0x5] =	wrdreg $0x9  }
0xb2: {  	_ =	task.clear_ibuf [dreg:s7], $0x6FFFF;
	_ =	strace $0x90000046  }
0xb3: {  	s29 =	simm.s32 $0x9;
	_ =	strace $0x80000048  }
0xb4: {  	_ =	swait.ge [sflag:s29], $0x1  }
0xb5: {  	[sflag:s29] =	ssyncadd.s32 $0xFFFFFFFF  }
0xb6: {  	_ =	strace $0x90000048  }
0xb7: {  	_ =	sfence  }
0xb8: {  	s30 =	sld [smem:$0x0];
	_ =	sdelay $0x2  }
0xb9: {  	s31 =	sshll.u32 s1, $0xD;
	s1 =	sshrl.u32 s1, $0x2  }
0xba: {  	s3 =	sand.u32 $0x4000, s31;
	s1 =	sadd.s32 s1, s30  }
0xbb: {  	s0 =	sor.u32 s3, s0;
	s1 =	sshll.u32 s1, $0x11  }
0xbc: {  	s0 =	sor.u32 s1, s0  }
0xbd: {  	s0 =	sadd.s32 $0x8F2B, s0  }
0xbe: {  	[sflag:s0] =	ssyncadd.remote.s32 $0x1  }
0xbf: {  	_ =	sfence.sel $0xFFFF  }
0xc0: {  	[dreg:$0x0] =	wrdreg $0xFFFFFFFF;
	(pc) =	sbr.abs _section_cstart, $3  }
0xc1: {  	[dreg:$0x1] =	wrdreg $0xFFFFFFFF  }
0xc2: {  	_ =	task.clear_ibuf [dreg:s7], $0x2FFFF;
	_ =	strace $0x9FFFFFFF  }
0xc3: {  	(tm) =	ssettm $0x7FFFFFFF  }
tec
execute0_lowered:
.L_overlay_start_1:
0x0: {  	(tag) =	ssettag $0x1  }
0x1: {  	s0 =	rddreg [dreg:$0x0]  }
0x2: {  	s1 =	rddreg [dreg:$0x1]  }
0x3: {  	s2 =	rddreg [dreg:$0x2];
	s3 =	simm.s32 $0x0;
	s4 =	srdreg.scid  }
0x4: {  	s14 =	stileid.u32;
	s15 =	simm.s32 $0x1000;
	s16 =	simm.s32 $0x40  }
0x5: {  	s17 =	simm.s32 $0x2000;
	s18 =	simm.s32 $0x80;
	s19 =	simm.s32 $0x4000  }
0x6: {  	s20 =	simm.s32 $0x100;
	s28 =	simm.s32 $0xF80;
	s29 =	simm.s32 $0x1E00  }
0x7: {  	s30 =	simm.s32 $0x1E80;
	s31 =	simm.s32 $0x1F00;
	[smem:$0x7FF] =	sst s3  }
0x8: {  	s5 =	sadd.s32 $0x15E00, s0;
	s4 =	sand.u32 $0x1, s4;
	s6 =	sadd.s32 $0x1E00, s0  }
0x9: {  	s0 =	sadd.s32 $0x162000, s0;
	s9 =	smul.u32 $0x4E000, s14;
	s21 =	sshll.u32 s14, $0x1  }
0xa: {  	s11 =	sshll.u32 s14, $0x6;
	s12 =	smul.u32 $0x13800, s14;
	p0 =	sne.s32 s14, $0xF  }
0xb: {  	_ =	strace $0x80000047;
	s7 =	ssub.s32 $0x2, s4;
	s22 =	smul.u32 $0x138800, s4  }
0xc: {  	s4 =	sor.u32 s4, s21;
	s8 =	sshrl.u32 s7, $0x1;
	s9 =	sshrl.u32 s9, $0x2  }
0xd: {  	s21 =	simm.s32 $0x6000;
	s10 =	ssub.s32 s7, s8;
	s9 =	sadd.s32 s9, s2  }
0xe: {  	s7 =	sor.u32 $0x1C05, s11;
	s11 =	sadd.s32 $0x138000, s2;
	s12 =	sadd.s32 s12, s22  }
0xf: {  	s13 =	sshrl.u32 s22, $0x3;
	s8 =	smul.u32 $0x5000, s4;
	s22 =	simm.s32 $0x8000  }
0x10: {  	s23 =	sshrl.u32 s12, $0x3;
	s24 =	sadd.s32 s0, s13;
	s26 =	smax.u32 s10, $0x1  }
0x11: {  	s10 =	sshrl.u32 s9, $0x3;
	s13 =	simm.s32 $0x5;
	[dreg:$0x6] =	wrdreg s26  }
0x12: {  	s11 =	sshrl.u32 @!p0 s11, $0x3;
	s0 =	sadd.s32 s0, s23;
	[dreg:$0x7] =	wrdreg s10  }
0x13: {  	s25 =	sadd.s32 $0x27000, s24;
	s23 =	simm.s32 $0x1;
	[dreg:$0x8] =	wrdreg s11  }
0x14: {  	s24 =	simm.s32 $0x2;
	s26 =	simm.s32 $0x4;
	[dreg:$0x4] =	wrdreg s0  }
0x15: {  	[dreg:$0x5] =	wrdreg s25;
	s25 =	simm.s32 $0x3;
	s0 =	simm.s32 $0x1F80  }
.LBB2_1:
0x16: {  	[spmem:s10], [sflag:s7] =	dma.local [hbm:s5], $0x2700  }
0x17: {  	_ =	swait.ge [sflag:s13], $0x2700  }
0x18: {  	[sflag:s13] =	ssyncset.done $0x0  }
0x19: {  	s4 =	simm.s32 @!p0 $0x5;
	[sflag:s13] =	ssyncadd.s32 $0xFFFFD900  }
0x1a: {  	[spmem:s11], [sflag:s7] =	dma.local @!p0 [hbm:s5], $0x100  }
0x1b: {  	_ =	swait.ge @!p0 [sflag:s4], $0x100  }
0x1c: {  	[sflag:s4] =	ssyncset.done @!p0 $0x0  }
0x1d: {  	[sflag:s4] =	ssyncadd.s32 @!p0 $0xFFFFFF00  }
0x1e: {  	s4 =	simm.s32 $0x0;
	[bflag:$0x0] =	sbarrier.arrive $0xFFFF  }
.LBB2_2:
0x1f: {  	s9 =	sshll.u32 s4, $0xC  }
0x20: {  	s9 =	sadd.s32 s8, s9  }
0x21: {  	s9 =	sshrl.u32 s9, $0x3  }
0x22: {  	s11 =	simm.s32 $0x0;
	s10 =	sadd.s32 s1, s9  }
0x23: {  	[tilespmem:s11], [sflag:$0x5] =	stream.linear.gather [hbm4b:s10+s11], $0x1000, $0x38;
	[tilespmem:$0x1D880] =	vst v63  }
0x24: {  	_ =	swait.ge [sflag:s13], $0x1000  }
0x25: {  	[sflag:s13] =	ssyncset.done $0x0  }
0x26: {  	s9 =	sadd.s32 s6, s9;
	[sflag:s13] =	ssyncadd.s32 $0xFFFFF000  }
0x27: {  	[tilespmem:s15], [sflag:$0x5] =	stream.linear.gather [hbm4b:s9+s11], $0x1000, $0x38;
	[tilespmem:$0x1D880] =	vst v63  }
0x28: {  	_ =	swait.ge [sflag:s13], $0x1000  }
0x29: {  	[sflag:s13] =	ssyncset.done $0x0  }
0x2a: {  	[sflag:s13] =	ssyncadd.s32 $0xFFFFF000  }
0x2b: {  	[tilespmem:s17], [sflag:$0x1] =	stream.indirect.gather [hbm4b:s5+s16], $0x80, s11, s16, $0xb8;
	[tilespmem:$0x1D880] =	vst v63  }
0x2c: {  	_ = 	snop  }
0x2d: {  	[tilespmem:s19], [sflag:$0x2] =	stream.indirect.gather [hbm4b:s5+s16], $0x80, s18, s16, $0xb8;
	[tilespmem:$0x1D880] =	vst v63  }
0x2e: {  	_ = 	snop  }
0x2f: {  	[tilespmem:s21], [sflag:$0x3] =	stream.indirect.gather [hbm4b:s5+s16], $0x80, s20, s16, $0xb8;
	[tilespmem:$0x1D880] =	vst v63  }
0x30: {  	s10 =	simm.s32 $0x180  }
0x31: {  	[tilespmem:s22], [sflag:$0x4] =	stream.indirect.gather [hbm4b:s5+s16], $0x80, s10, s16, $0xb8;
	[tilespmem:$0x1D880] =	vst v63  }
0x32: {  	_ =	swait.ge [sflag:s23], $0x2000  }
0x33: {  	[sflag:s23] =	ssyncset.done $0x0  }
0x34: {  	s11 =	simm.s32 $0x1000;
	[sflag:s23] =	ssyncadd.s32 $0xFFFFE000  }
0x35: {  	[spmem:s2] =	stream.indirect.scatter.add.f32 [tilespmem:s17], [sflag:$0x5], $0x80, s11, s16, $0xb8;
	[tilespmem:$0x1D880] =	vst v63  }
0x36: {  	_ =	swait.ge [sflag:s13], $0x2000  }
0x37: {  	[sflag:s13] =	ssyncset.done $0x0  }
0x38: {  	s12 =	simm.s32 $0x200;
	[sflag:s13] =	ssyncadd.s32 $0xFFFFE000  }
0x39: {  	[tilespmem:s17], [sflag:$0x1] =	stream.indirect.gather [hbm4b:s5+s16], $0x80, s12, s16, $0xb8;
	[tilespmem:$0x1D880] =	vst v63  }
0x3a: {  	_ =	swait.ge [sflag:s24], $0x2000  }
0x3b: {  	[sflag:s24] =	ssyncset.done $0x0  }
0x3c: {  	s14 =	simm.s32 $0x1080;
	[sflag:s24] =	ssyncadd.s32 $0xFFFFE000  }
0x3d: {  	[spmem:s2] =	stream.indirect.scatter.add.f32 [tilespmem:s19], [sflag:$0x5], $0x80, s14, s16, $0xb8;
	[tilespmem:$0x1D880] =	vst v63  }
0x3e: {  	_ =	swait.ge [sflag:s13], $0x2000  }
0x3f: {  	[sflag:s13] =	ssyncset.done $0x0  }
0x40: {  	s10 =	simm.s32 $0x280;
	[sflag:s13] =	ssyncadd.s32 $0xFFFFE000  }
0x41: {  	[tilespmem:s19], [sflag:$0x2] =	stream.indirect.gather [hbm4b:s5+s16], $0x80, s10, s16, $0xb8;
	[tilespmem:$0x1D880] =	vst v63  }
0x42: {  	_ =	swait.ge [sflag:s25], $0x2000  }
0x43: {  	[sflag:s25] =	ssyncset.done $0x0  }
0x44: {  	s11 =	simm.s32 $0x1100;
	[sflag:s25] =	ssyncadd.s32 $0xFFFFE000  }
0x45: {  	[spmem:s2] =	stream.indirect.scatter.add.f32 [tilespmem:s21], [sflag:$0x5], $0x80, s11, s16, $0xb8;
	[tilespmem:$0x1D880] =	vst v63  }
0x46: {  	_ =	swait.ge [sflag:s13], $0x2000  }
0x47: {  	[sflag:s13] =	ssyncset.done $0x0  }
0x48: {  	s12 =	simm.s32 $0x300;
	[sflag:s13] =	ssyncadd.s32 $0xFFFFE000  }
0x49: {  	[tilespmem:s21], [sflag:$0x3] =	stream.indirect.gather [hbm4b:s5+s16], $0x80, s12, s16, $0xb8;
	[tilespmem:$0x1D880] =	vst v63  }
0x4a: {  	_ =	swait.ge [sflag:s26], $0x2000  }
0x4b: {  	[sflag:s26] =	ssyncset.done $0x0  }
0x4c: {  	s14 =	simm.s32 $0x1180;
	[sflag:s26] =	ssyncadd.s32 $0xFFFFE000  }
0x4d: {  	[spmem:s2] =	stream.indirect.scatter.add.f32 [tilespmem:s22], [sflag:$0x5], $0x80, s14, s16, $0xb8;
	[tilespmem:$0x1D880] =	vst v63  }
0x4e: {  	_ =	swait.ge [sflag:s13], $0x2000  }
0x4f: {  	s9 =	simm.s32 $0x200;
	s10 =	simm.s32 $0x1000;
	[sflag:s13] =	ssyncset.done $0x0  }
.LBB2_3:
0x50: {  	s14 =	sadd.s32 $0x180, s9  }
0x51: {  	[sflag:s13] =	ssyncadd.s32 $0xFFFFE000;
	s11 =	smov.u32 s10;
	s12 =	sadd.s32 $0x800, s10  }
0x52: {  	[tilespmem:s22], [sflag:$0x4] =	stream.indirect.gather [hbm4b:s5+s16], $0x80, s14, s16, $0xb8;
	[tilespmem:$0x1D880] =	vst v63  }
0x53: {  	p1 =	sne.s32 s10, $0x3000;
	_ =	swait.ge [sflag:s23], $0x2000  }
0x54: {  	[sflag:s23] =	ssyncset.done $0x0  }
0x55: {  	s10 =	sadd.s32 $0x1000, s9;
	[sflag:s23] =	ssyncadd.s32 $0xFFFFE000  }
0x56: {  	[spmem:s2] =	stream.indirect.scatter.add.f32 [tilespmem:s17], [sflag:$0x5], $0x80, s10, s16, $0xb8;
	[tilespmem:$0x1D880] =	vst v63  }
0x57: {  	_ =	swait.ge [sflag:s13], $0x2000  }
0x58: {  	[sflag:s13] =	ssyncset.done $0x0  }
0x59: {  	s10 =	sadd.s32 $0x200, s9;
	[sflag:s13] =	ssyncadd.s32 $0xFFFFE000  }
0x5a: {  	[tilespmem:s17], [sflag:$0x1] =	stream.indirect.gather [hbm4b:s5+s16], $0x80, s10, s16, $0xb8;
	[tilespmem:$0x1D880] =	vst v63  }
0x5b: {  	_ =	swait.ge [sflag:s24], $0x2000  }
0x5c: {  	[sflag:s24] =	ssyncset.done $0x0  }
0x5d: {  	s10 =	sadd.s32 $0x1080, s9;
	[sflag:s24] =	ssyncadd.s32 $0xFFFFE000  }
0x5e: {  	[spmem:s2] =	stream.indirect.scatter.add.f32 [tilespmem:s19], [sflag:$0x5], $0x80, s10, s16, $0xb8;
	[tilespmem:$0x1D880] =	vst v63  }
0x5f: {  	_ =	swait.ge [sflag:s13], $0x2000  }
0x60: {  	[sflag:s13] =	ssyncset.done $0x0  }
0x61: {  	s10 =	sadd.s32 $0x280, s9;
	[sflag:s13] =	ssyncadd.s32 $0xFFFFE000  }
0x62: {  	[tilespmem:s19], [sflag:$0x2] =	stream.indirect.gather [hbm4b:s5+s16], $0x80, s10, s16, $0xb8;
	[tilespmem:$0x1D880] =	vst v63  }
0x63: {  	_ =	swait.ge [sflag:s25], $0x2000  }
0x64: {  	[sflag:s25] =	ssyncset.done $0x0  }
0x65: {  	s10 =	sadd.s32 $0x1100, s9;
	[sflag:s25] =	ssyncadd.s32 $0xFFFFE000  }
0x66: {  	[spmem:s2] =	stream.indirect.scatter.add.f32 [tilespmem:s21], [sflag:$0x5], $0x80, s10, s16, $0xb8;
	[tilespmem:$0x1D880] =	vst v63  }
0x67: {  	_ =	swait.ge [sflag:s13], $0x2000  }
0x68: {  	[sflag:s13] =	ssyncset.done $0x0  }
0x69: {  	s10 =	sadd.s32 $0x300, s9;
	[sflag:s13] =	ssyncadd.s32 $0xFFFFE000  }
0x6a: {  	[tilespmem:s21], [sflag:$0x3] =	stream.indirect.gather [hbm4b:s5+s16], $0x80, s10, s16, $0xb8;
	[tilespmem:$0x1D880] =	vst v63  }
0x6b: {  	_ =	swait.ge [sflag:s26], $0x2000  }
.Ltmp0:
0x6c: {  	[sflag:s26] =	ssyncset.done $0x0;
	(pc) =	sbr.rel @p1 .LBB2_3-.Ltmp0, $4  }
0x6d: {  	s9 =	sadd.s32 $0x1180, s9;
	[sflag:s26] =	ssyncadd.s32 $0xFFFFE000  }
0x6e: {  	[spmem:s2] =	stream.indirect.scatter.add.f32 [tilespmem:s22], [sflag:$0x5], $0x80, s9, s16, $0xb8;
	[tilespmem:$0x1D880] =	vst v63  }
0x6f: {  	_ =	swait.ge [sflag:s13], $0x2000  }
0x70: {  	s10 =	smov.u32 s12;
	s9 =	sshra.s32 s11, $0x2;
	[sflag:s13] =	ssyncset.done $0x0  }
0x71: {  	s10 =	sadd.s32 $0x180, s9;
	[sflag:s13] =	ssyncadd.s32 $0xFFFFE000  }
0x72: {  	[tilespmem:s22], [sflag:$0x4] =	stream.indirect.gather [hbm4b:s5+s16], $0x80, s10, s16, $0xb8;
	[tilespmem:$0x1D880] =	vst v63  }
0x73: {  	_ =	swait.ge [sflag:s23], $0x2000  }
0x74: {  	[sflag:s23] =	ssyncset.done $0x0  }
0x75: {  	s14 =	sadd.s32 $0x1000, s9;
	[sflag:s23] =	ssyncadd.s32 $0xFFFFE000  }
0x76: {  	[spmem:s2] =	stream.indirect.scatter.add.f32 [tilespmem:s17], [sflag:$0x5], $0x80, s14, s16, $0xb8;
	[tilespmem:$0x1D880] =	vst v63  }
0x77: {  	_ =	swait.ge [sflag:s13], $0x2000  }
0x78: {  	[sflag:s13] =	ssyncset.done $0x0  }
0x79: {  	s11 =	sadd.s32 $0x200, s9;
	[sflag:s13] =	ssyncadd.s32 $0xFFFFE000  }
0x7a: {  	[tilespmem:s17], [sflag:$0x1] =	stream.indirect.gather [hbm4b:s5+s16], $0x80, s11, s16, $0xb8;
	[tilespmem:$0x1D880] =	vst v63  }
0x7b: {  	_ =	swait.ge [sflag:s24], $0x2000  }
0x7c: {  	[sflag:s24] =	ssyncset.done $0x0  }
0x7d: {  	s12 =	sadd.s32 $0x1080, s9;
	[sflag:s24] =	ssyncadd.s32 $0xFFFFE000  }
0x7e: {  	[spmem:s2] =	stream.indirect.scatter.add.f32 [tilespmem:s19], [sflag:$0x5], $0x80, s12, s16, $0xb8;
	[tilespmem:$0x1D880] =	vst v63  }
0x7f: {  	_ =	swait.ge [sflag:s13], $0x2000  }
0x80: {  	[sflag:s13] =	ssyncset.done $0x0  }
0x81: {  	s14 =	sadd.s32 $0x280, s9;
	[sflag:s13] =	ssyncadd.s32 $0xFFFFE000  }
0x82: {  	[tilespmem:s19], [sflag:$0x2] =	stream.indirect.gather [hbm4b:s5+s16], $0x80, s14, s16, $0xb8;
	[tilespmem:$0x1D880] =	vst v63  }
0x83: {  	_ =	swait.ge [sflag:s25], $0x2000  }
0x84: {  	[sflag:s25] =	ssyncset.done $0x0  }
0x85: {  	s11 =	sadd.s32 $0x1100, s9;
	[sflag:s25] =	ssyncadd.s32 $0xFFFFE000  }
0x86: {  	[spmem:s2] =	stream.indirect.scatter.add.f32 [tilespmem:s21], [sflag:$0x5], $0x80, s11, s16, $0xb8;
	[tilespmem:$0x1D880] =	vst v63  }
0x87: {  	_ =	swait.ge [sflag:s13], $0x2000  }
0x88: {  	[sflag:s13] =	ssyncset.done $0x0  }
0x89: {  	s12 =	sadd.s32 $0x300, s9;
	[sflag:s13] =	ssyncadd.s32 $0xFFFFE000  }
0x8a: {  	[tilespmem:s21], [sflag:$0x3] =	stream.indirect.gather [hbm4b:s5+s16], $0x80, s12, s16, $0xb8;
	[tilespmem:$0x1D880] =	vst v63  }
0x8b: {  	_ =	swait.ge [sflag:s26], $0x2000  }
0x8c: {  	[sflag:s26] =	ssyncset.done $0x0  }
0x8d: {  	s14 =	sadd.s32 $0x1180, s9;
	[sflag:s26] =	ssyncadd.s32 $0xFFFFE000  }
0x8e: {  	[spmem:s2] =	stream.indirect.scatter.add.f32 [tilespmem:s22], [sflag:$0x5], $0x80, s14, s16, $0xb8;
	[tilespmem:$0x1D880] =	vst v63  }
0x8f: {  	_ =	swait.ge [sflag:s13], $0x2000  }
0x90: {  	[sflag:s13] =	ssyncset.done $0x0  }
0x91: {  	[sflag:s13] =	ssyncadd.s32 $0xFFFFE000  }
0x92: {  	[tilespmem:s22], [sflag:$0x4] =	stream.indirect.gather [hbm4b:s5+s16], $0x80, s28, s16, $0xb8;
	[tilespmem:$0x1D880] =	vst v63  }
0x93: {  	_ =	swait.ge [sflag:s23], $0x2000  }
0x94: {  	[sflag:s23] =	ssyncset.done $0x0  }
0x95: {  	[sflag:s23] =	ssyncadd.s32 $0xFFFFE000  }
0x96: {  	[spmem:s2] =	stream.indirect.scatter.add.f32 [tilespmem:s17], [sflag:$0x5], $0x80, s29, s16, $0xb8;
	[tilespmem:$0x1D880] =	vst v63  }
0x97: {  	_ =	swait.ge [sflag:s13], $0x2000  }
0x98: {  	[sflag:s13] =	ssyncset.done $0x0  }
0x99: {  	[sflag:s13] =	ssyncadd.s32 $0xFFFFE000  }
0x9a: {  	_ =	swait.ge [sflag:s24], $0x2000  }
0x9b: {  	[sflag:s24] =	ssyncset.done $0x0  }
0x9c: {  	[sflag:s24] =	ssyncadd.s32 $0xFFFFE000  }
0x9d: {  	[spmem:s2] =	stream.indirect.scatter.add.f32 [tilespmem:s19], [sflag:$0x5], $0x80, s30, s16, $0xb8;
	[tilespmem:$0x1D880] =	vst v63  }
0x9e: {  	_ =	swait.ge [sflag:s13], $0x2000  }
0x9f: {  	[sflag:s13] =	ssyncset.done $0x0  }
0xa0: {  	[sflag:s13] =	ssyncadd.s32 $0xFFFFE000  }
0xa1: {  	_ =	swait.ge [sflag:s25], $0x2000  }
0xa2: {  	[sflag:s25] =	ssyncset.done $0x0  }
0xa3: {  	[sflag:s25] =	ssyncadd.s32 $0xFFFFE000  }
0xa4: {  	[spmem:s2] =	stream.indirect.scatter.add.f32 [tilespmem:s21], [sflag:$0x5], $0x80, s31, s16, $0xb8;
	[tilespmem:$0x1D880] =	vst v63  }
0xa5: {  	_ =	swait.ge [sflag:s13], $0x2000  }
0xa6: {  	[sflag:s13] =	ssyncset.done $0x0  }
0xa7: {  	[sflag:s13] =	ssyncadd.s32 $0xFFFFE000  }
0xa8: {  	s4 =	sadd.s32 $0x1, s4;
	_ =	swait.ge [sflag:s26], $0x2000  }
0xa9: {  	p1 =	sne.s32 s4, $0x5;
	[sflag:s26] =	ssyncset.done $0x0  }
.Ltmp1:
0xaa: {  	[sflag:s26] =	ssyncadd.s32 $0xFFFFE000;
	(pc) =	sbr.rel @p1 .LBB2_2-.Ltmp1, $4  }
0xab: {  	[spmem:s2] =	stream.indirect.scatter.add.f32 [tilespmem:s22], [sflag:$0x5], $0x80, s0, s16, $0xb8;
	[tilespmem:$0x1D880] =	vst v63  }
0xac: {  	_ =	swait.ge [sflag:s13], $0x2000  }
0xad: {  	[sflag:s13] =	ssyncset.done $0x0  }
0xae: {  	[sflag:s13] =	ssyncadd.s32 $0xFFFFE000  }
0xaf: {  	[bflag:$0x0] =	sbarrier.arrive $0xFFFF  }
0xb0: {  	s4 =	rddreg [dreg:$0x4]  }
0xb1: {  	s10 =	rddreg [dreg:$0x7]  }
0xb2: {  	[hbm:s4], [sflag:s7] =	dma.local [spmem:s10], $0x2700  }
0xb3: {  	_ =	swait.ge [sflag:s13], $0x2700  }
0xb4: {  	[sflag:s13] =	ssyncset.done $0x0;
	s4 =	rddreg [dreg:$0x5]  }
0xb5: {  	s11 =	rddreg [dreg:$0x8];
	[sflag:s13] =	ssyncadd.s32 $0xFFFFD900  }
0xb6: {  	[hbm:s4], [sflag:s7] =	dma.local @!p0 [spmem:s11], $0x100  }
0xb7: {  	s4 =	simm.s32 @!p0 $0x5  }
0xb8: {  	_ =	swait.ge @!p0 [sflag:s4], $0x100  }
0xb9: {  	s3 =	sadd.s32 $0x1, s3;
	s9 =	rddreg [dreg:$0x6]  }
0xba: {  	p1 =	sne.s32 s3, s9  }
.Ltmp2:
0xbb: {  	_ = 	snop;
	(pc) =	sbr.rel @p1 .LBB2_1-.Ltmp2, $3  }
0xbc: {  	_ =	sdelay $0x1  }
0xbd: {  	[sflag:s4] =	ssyncset.done @!p0 $0x0  }
0xbe: {  	[sflag:s4] =	ssyncadd.s32 @!p0 $0xFFFFFF00  }
0xbf: {  	_ =	sfence.sel $0x180000  }
0xc0: {  	[bflag:$0x0] =	sbarrier.arrive $0xFFFF  }
0xc1: {  	_ =	strace $0x90000047  }
0xc2: {  	s0 =	stileid.u32;
	[bflag:$0x2] =	sbarrier.arrive $0xFFFF  }
0xc3: {  	p0 =	sne.s32 s0, $0x0;
	s0 =	rddreg [dreg:$0x3]  }
0xc4: {  	s0 =	sadd.s32 @!p0 $0x100000, s0  }
0xc5: {  	[sflag:s0] =	ssyncadd.tile.s32 @!p0 $0x1;
	_ =	shalt  }
.Lfunc_end2:
_tile_overlayer_lowered:
.L_overlay_start_2:
0xc6: {  	(tag) =	ssettag $0x2  }
0xc7: {  	s0 =	rddreg [dreg:$0x0];
	s2 =	stileid.u32  }
0xc8: {  	s1 =	rddreg [dreg:$0x1];
	p0 =	sne.s32 s2, $0x0  }
0xc9: {  	s3 =	rddreg [dreg:$0x2];
	[bflag:$0x3] =	sbarrier.arrive $0xFFFF;
	s2 =	simm.s32 @!p0 $0x1C05  }
0xca: {  	[timem:s3], [sflag:s2] =	dma.local @!p0 [hbm:s0], s1  }
0xcb: {  	s0 =	simm.s32 @!p0 $0x5  }
0xcc: {  	_ =	swait.ge @!p0 [sflag:s0], s1  }
0xcd: {  	s1 =	ssub.s32 @!p0 $0x0, s1;
	[sflag:s0] =	ssyncset.done @!p0 $0x0  }
0xce: {  	[sflag:s0] =	ssyncadd.s32 @!p0 s1  }
0xcf: {  	[bflag:$0x3] =	sbarrier.arrive $0xFFFF  }
0xd0: {  	_ =	shalt  }

// kernel: kernel.14.cloned.1.call-start
scs
__scs_entry_jumppad:
0x0: {  	(pc) =	sbr.rel $0x88, $3  }
0x1: {  	(tag) =	ssettag $0x0;
	lr =	simm.s32 $0x1  }
0x2: {  	[smem:$0x3F96] =	sst lr;
	_ =	strace $0xD0000000  }
0x3: {  	_ = 	snop  }
0x4: {  	_ = 	snop  }
0x5: {  	_ = 	snop  }
0x6: {  	_ = 	snop  }
0x7: {  	_ = 	snop  }
__scs_overlays_trampoline_lowered:
0x8: {  	[smem:$0x3FA5] =	sst s0  }
0x9: {  	[smem:$0x3FA6] =	sst s1  }
0xa: {  	[smem:$0x3FA7] =	sst s2  }
0xb: {  	[smem:$0x3FA8] =	sst s3  }
0xc: {  	[smem:$0x3FA9] =	sst s4  }
0xd: {  	[smem:$0x3FAA] =	sst s5  }
0xe: {  	[smem:$0x3FAB] =	sst s6  }
0xf: {  	[smem:$0x3FAC] =	sst s7  }
0x10: {  	[smem:$0x3FAD] =	sst s8  }
0x11: {  	[smem:$0x3FAE] =	sst s9;
	s0 =	simm.s32 @!p0 $0x0  }
0x12: {  	s1 =	sld [smem:$0x3F94];
	s0 =	simm.s32 @p0 $0x1  }
0x13: {  	[smem:$0x3FAF] =	sst s0;
	s0 =	simm.s32 @!p1 $0x0  }
0x14: {  	s2 =	sld [smem:$0x3F93];
	s0 =	simm.s32 @p1 $0x1  }
0x15: {  	[smem:$0x3FB0] =	sst s0;
	s0 =	simm.s32 @!p2 $0x0  }
0x16: {  	s3 =	sld [smem:$0x3FDB];
	s0 =	simm.s32 @p2 $0x1  }
0x17: {  	s4 =	simm.s32 $0x1BF5;
	[smem:$0x3FB2] =	sst s0  }
0x18: {  	s0 =	sld [smem:$0x3F95];
	_ =	swait.ge [sflag:s4], $0x0  }
0x19: {  	s7 =	sld [smem:$0x3F96]  }
0x1a: {  	s8 =	sadd.s32 $0xFFFFE003, lr  }
0x1b: {  	s9 =	sadd.s32 $0xFFFFFEF7, lr;
	s5 =	simm.s32 $0xFFFFFFFF;
	p2 =	slt.u32 s8, $0xFFFFF086  }
0x1c: {  	p1 =	slt.u32 s9, $0xF7A;
	s5 =	simm.s32 @!p2 $0x0  }
0x1d: {  	s5 =	simm.s32 @p1 $0x1;
	p0 =	seq.s32 s7, s2  }
0x1e: {  	s7 =	smul.u32 @!p0 $0xF7A, s2;
	p2 =	seq.s32 @!p0 s5, $0x0  }
0x1f: {  	s9 =	smul.u32 $0xF7A, s1;
	s8 =	simm.s32 @!p0 $0x1BF5;
	p2 =	por !p2, p0  }
0x20: {  	[sflag:s8] =	ssyncset.s32 @!p0 $0xFFFFF086;
	s6 =	sadd.s32 @!p0 s3, s7;
	s7 =	simm.s32 @!p0 $0x108  }
0x21: {  	s3 =	sadd.s32 s3, s9;
	s6 =	sadd.s32 @!p0 $0x88, s6;
	s7 =	simm.s32 @p2 $0x1082  }
0x22: {  	[simem:s7], [sflag:s8] =	dma.local @!p0 [hbm:s6], $0xF7A  }
0x23: {  	s9 =	sor.u32 $0xD0000000, s2;
	s6 =	simm.s32 $0x108;
	_ =	swait.ge @!p0 [sflag:s8], $0x0  }
0x24: {  	s3 =	sadd.s32 $0x88, s3;
	s6 =	simm.s32 @!p1 $0x1082;
	[sflag:s4] =	ssyncset.s32 $0xFFFFF086  }
0x25: {  	[simem:s6], [sflag:s4] =	dma.local [hbm:s3], $0xF7A  }
0x26: {  	[smem:$0x3F96] =	sst s1;
	(tag) =	ssettag s2;
	_ =	strace s9  }
0x27: {  	s1 =	sld [smem:$0x3FA6]  }
0x28: {  	s2 =	sld [smem:$0x3FA7]  }
0x29: {  	s4 =	sld [smem:$0x3FA9]  }
0x2a: {  	p0 =	seq.s32 s5, $0x0;
	s5 =	sld [smem:$0x3FAA]  }
0x2b: {  	s6 =	sld [smem:$0x3FAB]  }
0x2c: {  	s7 =	sld [smem:$0x3FAC]  }
0x2d: {  	s3 =	simm.s32 $0x108;
	s8 =	sld [smem:$0x3FAD]  }
0x2e: {  	s3 =	simm.s32 @!p0 $0x1082;
	s9 =	sld [smem:$0x3FAE]  }
0x2f: {  	lr =	sadd.s32 s0, s3;
	s0 =	sld [smem:$0x3FA5]  }
0x30: {  	s3 =	sld [smem:$0x3FA8]  }
0x31: {  	[smem:$0x3FB1] =	sst s10  }
0x32: {  	s10 =	sld [smem:$0x3FAF];
	_ =	sdelay $0x3  }
0x33: {  	p0 =	seq.s32 s10, $0x1;
	s10 =	sld [smem:$0x3FB1];
	_ =	sdelay $0x3  }
0x34: {  	[smem:$0x3FB1] =	sst s10  }
0x35: {  	s10 =	sld [smem:$0x3FB0];
	_ =	sdelay $0x3  }
0x36: {  	p1 =	seq.s32 s10, $0x1;
	s10 =	sld [smem:$0x3FB1];
	_ =	sdelay $0x3  }
0x37: {  	[smem:$0x3FB1] =	sst s10  }
0x38: {  	s10 =	sld [smem:$0x3FB2]  }
0x39: {  	_ = 	snop;
	(pc) =	sbr.ind lr, $3  }
0x3a: {  	_ = 	snop  }
0x3b: {  	_ = 	snop  }
0x3c: {  	p2 =	seq.s32 s10, $0x1;
	s10 =	sld [smem:$0x3FB1]  }
0x3d: {  	_ =	shalt  }
0x3e: {  	_ =	shalt  }
0x3f: {  	_ =	shalt  }
0x40: {  	_ =	shalt  }
0x41: {  	_ =	shalt  }
0x42: {  	_ =	shalt  }
0x43: {  	_ =	shalt  }
0x44: {  	_ =	shalt  }
0x45: {  	_ =	shalt  }
0x46: {  	_ =	shalt  }
0x47: {  	_ =	shalt  }
0x48: {  	_ =	shalt  }
0x49: {  	_ =	shalt  }
0x4a: {  	_ =	shalt  }
0x4b: {  	_ =	shalt  }
0x4c: {  	_ =	shalt  }
0x4d: {  	_ =	shalt  }
0x4e: {  	_ =	shalt  }
0x4f: {  	_ =	shalt  }
0x50: {  	_ =	shalt  }
0x51: {  	_ =	shalt  }
0x52: {  	_ =	shalt  }
0x53: {  	_ =	shalt  }
0x54: {  	_ =	shalt  }
0x55: {  	_ =	shalt  }
0x56: {  	_ =	shalt  }
0x57: {  	_ =	shalt  }
0x58: {  	_ =	shalt  }
0x59: {  	_ =	shalt  }
0x5a: {  	_ =	shalt  }
0x5b: {  	_ =	shalt  }
0x5c: {  	_ =	shalt  }
0x5d: {  	_ =	shalt  }
0x5e: {  	_ =	shalt  }
0x5f: {  	_ =	shalt  }
0x60: {  	_ =	shalt  }
0x61: {  	_ =	shalt  }
0x62: {  	_ =	shalt  }
0x63: {  	_ =	shalt  }
0x64: {  	_ =	shalt  }
0x65: {  	_ =	shalt  }
0x66: {  	_ =	shalt  }
0x67: {  	_ =	shalt  }
0x68: {  	_ =	shalt  }
0x69: {  	_ =	shalt  }
0x6a: {  	_ =	shalt  }
0x6b: {  	_ =	shalt  }
0x6c: {  	_ =	shalt  }
0x6d: {  	_ =	shalt  }
0x6e: {  	_ =	shalt  }
0x6f: {  	_ =	shalt  }
0x70: {  	_ =	shalt  }
0x71: {  	_ =	shalt  }
0x72: {  	_ =	shalt  }
0x73: {  	_ =	shalt  }
0x74: {  	_ =	shalt  }
0x75: {  	_ =	shalt  }
0x76: {  	_ =	shalt  }
0x77: {  	_ =	shalt  }
0x78: {  	_ =	shalt  }
0x79: {  	_ =	shalt  }
0x7a: {  	_ =	shalt  }
0x7b: {  	_ =	shalt  }
0x7c: {  	_ =	shalt  }
0x7d: {  	_ =	shalt  }
0x7e: {  	_ =	shalt  }
0x7f: {  	_ =	shalt  }
0x80: {  	_ =	shalt  }
0x81: {  	_ =	shalt  }
0x82: {  	_ =	shalt  }
0x83: {  	_ =	shalt  }
0x84: {  	_ =	shalt  }
0x85: {  	_ =	shalt  }
0x86: {  	_ =	shalt  }
0x87: {  	_ =	shalt  }
.Lfunc_end0:
.L_simem_size_0:
called_computation.1_lowered:
.L_overlay_start_0:
0x88: {  	s2 =	sld [smem:$0x3FD9]  }
0x89: {  	s3 =	sld [smem:$0x3FFE];
	_ =	sdelay $0x1  }
0x8a: {  	s1 =	srdreg.scid  }
0x8b: {  	s0 =	sand.u32 $0x1, s1  }
0x8c: {  	s17 =	sshll.u32 s0, $0xA;
	s2 =	sadd.s32 s3, s2  }
0x8d: {  	s2 =	sadd.s32 s2, s17  }
0x8e: {  	[smem:$0x3FBD] =	sst s2  }
0x8f: {  	_ = 	snop  }
0x90: {  	s2 =	sld [smem:$0x3FD0];
	(tm) =	ssettm $0x1  }
0x91: {  	s18 =	sld [smem:$0x3FFB];
	_ =	sdelay $0x3  }
0x92: {  	_ =	strace s18  }
0x93: {  	s3 =	sld [smem:$0x3FFC];
	_ =	sdelay $0x3  }
0x94: {  	_ =	strace s3  }
0x95: {  	s3 =	sld [smem:$0x3FFD];
	_ =	sdelay $0x3  }
0x96: {  	_ =	strace s3  }
0x97: {  	_ =	strace $0x8FFFFFFF  }
0x98: {  	s19 =	sld [smem:$0x3FDB];
	_ =	sdelay $0x1  }
0x99: {  	s4 =	simm.s32 $_scs_section_size  }
0x9a: {  	s5 =	simm.s32 $_size__tile_overlayer_lowered;
	s6 =	simm.s32 $_tile_overlayer_lowered  }
0x9b: {  	s22 =	simm.s32 $0x1BFF;
	s21 =	sshll.u32 s6, $0x1;
	s3 =	sadd.s32 s4, s19  }
0x9c: {  	s7 =	simm.s32 $0x0;
	s20 =	sshll.u32 s5, $0x1;
	s5 =	sadd.s32 s21, s3  }
0x9d: {  	[timem:s7], [sflag:s22] =	dma.local [hbm:s5], s20  }
0x9e: {  	_ =	swait.ge [sflag:s22], s20  }
0x9f: {  	s4 =	ssub.s32 $0x0, s20;
	[sflag:s22] =	ssyncset.done $0x0  }
0xa0: {  	[sflag:s22] =	ssyncadd.s32 s4;
	_ =	sdelay $0x1  }
0xa1: {  	s23 =	simm.s32 $0x1B8B  }
0xa2: {  	_ =	swait.ge [sflag:s23], $0x1  }
0xa3: {  	[sflag:s23] =	ssyncset.done $0x0  }
0xa4: {  	s25 =	simm.s32 $0x1B8E;
	s24 =	sld [smem:$0x3FFE];
	[sflag:s23] =	ssyncadd.s32 $0xFFFFFFFF  }
0xa5: {  	s26 =	simm.s32 $execute0_lowered;
	[smem:$0x3FD2] =	sst s25  }
0xa6: {  	s5 =	sshll.u32 s26, $0x1;
	_ =	strace $0x80000049;
	[dreg:$0x1] =	wrdreg $0xFFFFFFFF  }
0xa7: {  	s28 =	simm.s32 $_size_execute0_lowered;
	s3 =	sadd.s32 s3, s5;
	[dreg:$0x0] =	wrdreg $0x0  }
0xa8: {  	s5 =	sshll.u32 s28, $0x1;
	[dreg:$0x2] =	wrdreg s3  }
0xa9: {  	[dreg:$0x3] =	wrdreg s5  }
0xaa: {  	[dreg:$0x4] =	wrdreg $0xC0  }
0xab: {  	_ =	task [dreg:s7], $0x5FFFF  }
0xac: {  	[dreg:$0x1] =	wrdreg $0xFFFFFFFF  }
0xad: {  	[dreg:$0x0] =	wrdreg $0x60  }
0xae: {  	[dreg:$0x2] =	wrdreg s24  }
0xaf: {  	[dreg:$0x3] =	wrdreg s2  }
0xb0: {  	[dreg:$0x4] =	wrdreg $0xA0000  }
0xb1: {  	[dreg:$0x5] =	wrdreg $0x9  }
0xb2: {  	_ =	task.clear_ibuf [dreg:s7], $0x6FFFF;
	_ =	strace $0x90000049  }
0xb3: {  	s29 =	simm.s32 $0x9;
	_ =	strace $0x8000004B  }
0xb4: {  	_ =	swait.ge [sflag:s29], $0x1  }
0xb5: {  	[sflag:s29] =	ssyncadd.s32 $0xFFFFFFFF  }
0xb6: {  	_ =	strace $0x9000004B  }
0xb7: {  	_ =	sfence  }
0xb8: {  	s30 =	sld [smem:$0x0];
	_ =	sdelay $0x2  }
0xb9: {  	s31 =	sshll.u32 s1, $0xD;
	s1 =	sshrl.u32 s1, $0x2  }
0xba: {  	s3 =	sand.u32 $0x4000, s31;
	s1 =	sadd.s32 s1, s30  }
0xbb: {  	s0 =	sor.u32 s3, s0;
	s1 =	sshll.u32 s1, $0x11  }
0xbc: {  	s0 =	sor.u32 s1, s0  }
0xbd: {  	s0 =	sadd.s32 $0x8F2B, s0  }
0xbe: {  	[sflag:s0] =	ssyncadd.remote.s32 $0x1  }
0xbf: {  	_ =	sfence.sel $0xFFFF  }
0xc0: {  	[dreg:$0x0] =	wrdreg $0xFFFFFFFF;
	(pc) =	sbr.abs _section_cstart, $3  }
0xc1: {  	[dreg:$0x1] =	wrdreg $0xFFFFFFFF  }
0xc2: {  	_ =	task.clear_ibuf [dreg:s7], $0x2FFFF;
	_ =	strace $0x9FFFFFFF  }
0xc3: {  	(tm) =	ssettm $0x7FFFFFFF  }
tec
execute0_lowered:
.L_overlay_start_1:
0x0: {  	(tag) =	ssettag $0x1  }
0x1: {  	s0 =	rddreg [dreg:$0x0]  }
0x2: {  	s1 =	rddreg [dreg:$0x1]  }
0x3: {  	s2 =	rddreg [dreg:$0x2];
	s3 =	simm.s32 $0x0;
	s4 =	srdreg.scid  }
0x4: {  	s14 =	stileid.u32;
	s15 =	simm.s32 $0x1000;
	s16 =	simm.s32 $0x40  }
0x5: {  	s17 =	simm.s32 $0x2000;
	s18 =	simm.s32 $0x80;
	s19 =	simm.s32 $0x4000  }
0x6: {  	s20 =	simm.s32 $0x100;
	s28 =	simm.s32 $0xF80;
	s29 =	simm.s32 $0x1E00  }
0x7: {  	s30 =	simm.s32 $0x1E80;
	s31 =	simm.s32 $0x1F00;
	[smem:$0x7FF] =	sst s3  }
0x8: {  	s5 =	sadd.s32 $0x15E00, s0;
	s4 =	sand.u32 $0x1, s4;
	s6 =	sadd.s32 $0x1E00, s0  }
0x9: {  	s0 =	sadd.s32 $0x162000, s0;
	s9 =	smul.u32 $0x4E000, s14;
	s21 =	sshll.u32 s14, $0x1  }
0xa: {  	s11 =	sshll.u32 s14, $0x6;
	s12 =	smul.u32 $0x13800, s14;
	p0 =	sne.s32 s14, $0xF  }
0xb: {  	_ =	strace $0x8000004A;
	s7 =	ssub.s32 $0x2, s4;
	s22 =	smul.u32 $0x138800, s4  }
0xc: {  	s4 =	sor.u32 s4, s21;
	s8 =	sshrl.u32 s7, $0x1;
	s9 =	sshrl.u32 s9, $0x2  }
0xd: {  	s21 =	simm.s32 $0x6000;
	s10 =	ssub.s32 s7, s8;
	s9 =	sadd.s32 s9, s2  }
0xe: {  	s7 =	sor.u32 $0x1C05, s11;
	s11 =	sadd.s32 $0x138000, s2;
	s12 =	sadd.s32 s12, s22  }
0xf: {  	s13 =	sshrl.u32 s22, $0x3;
	s8 =	smul.u32 $0x5000, s4;
	s22 =	simm.s32 $0x8000  }
0x10: {  	s23 =	sshrl.u32 s12, $0x3;
	s24 =	sadd.s32 s0, s13;
	s26 =	smax.u32 s10, $0x1  }
0x11: {  	s10 =	sshrl.u32 s9, $0x3;
	s13 =	simm.s32 $0x5;
	[dreg:$0x6] =	wrdreg s26  }
0x12: {  	s11 =	sshrl.u32 @!p0 s11, $0x3;
	s0 =	sadd.s32 s0, s23;
	[dreg:$0x7] =	wrdreg s10  }
0x13: {  	s25 =	sadd.s32 $0x27000, s24;
	s23 =	simm.s32 $0x1;
	[dreg:$0x8] =	wrdreg s11  }
0x14: {  	s24 =	simm.s32 $0x2;
	s26 =	simm.s32 $0x4;
	[dreg:$0x4] =	wrdreg s0  }
0x15: {  	[dreg:$0x5] =	wrdreg s25;
	s25 =	simm.s32 $0x3;
	s0 =	simm.s32 $0x1F80  }
.LBB2_1:
0x16: {  	[spmem:s10], [sflag:s7] =	dma.local [hbm:s5], $0x2700  }
0x17: {  	_ =	swait.ge [sflag:s13], $0x2700  }
0x18: {  	[sflag:s13] =	ssyncset.done $0x0  }
0x19: {  	s4 =	simm.s32 @!p0 $0x5;
	[sflag:s13] =	ssyncadd.s32 $0xFFFFD900  }
0x1a: {  	[spmem:s11], [sflag:s7] =	dma.local @!p0 [hbm:s5], $0x100  }
0x1b: {  	_ =	swait.ge @!p0 [sflag:s4], $0x100  }
0x1c: {  	[sflag:s4] =	ssyncset.done @!p0 $0x0  }
0x1d: {  	[sflag:s4] =	ssyncadd.s32 @!p0 $0xFFFFFF00  }
0x1e: {  	s4 =	simm.s32 $0x0;
	[bflag:$0x0] =	sbarrier.arrive $0xFFFF  }
.LBB2_2:
0x1f: {  	s9 =	sshll.u32 s4, $0xC  }
0x20: {  	s9 =	sadd.s32 s8, s9  }
0x21: {  	s9 =	sshrl.u32 s9, $0x3  }
0x22: {  	s11 =	simm.s32 $0x0;
	s10 =	sadd.s32 s1, s9  }
0x23: {  	[tilespmem:s11], [sflag:$0x5] =	stream.linear.gather [hbm4b:s10+s11], $0x1000, $0x38;
	[tilespmem:$0x1D880] =	vst v63  }
0x24: {  	_ =	swait.ge [sflag:s13], $0x1000  }
0x25: {  	[sflag:s13] =	ssyncset.done $0x0  }
0x26: {  	s9 =	sadd.s32 s6, s9;
	[sflag:s13] =	ssyncadd.s32 $0xFFFFF000  }
0x27: {  	[tilespmem:s15], [sflag:$0x5] =	stream.linear.gather [hbm4b:s9+s11], $0x1000, $0x38;
	[tilespmem:$0x1D880] =	vst v63  }
0x28: {  	_ =	swait.ge [sflag:s13], $0x1000  }
0x29: {  	[sflag:s13] =	ssyncset.done $0x0  }
0x2a: {  	[sflag:s13] =	ssyncadd.s32 $0xFFFFF000  }
0x2b: {  	[tilespmem:s17], [sflag:$0x1] =	stream.indirect.gather [hbm4b:s5+s16], $0x80, s11, s16, $0xb8;
	[tilespmem:$0x1D880] =	vst v63  }
0x2c: {  	_ = 	snop  }
0x2d: {  	[tilespmem:s19], [sflag:$0x2] =	stream.indirect.gather [hbm4b:s5+s16], $0x80, s18, s16, $0xb8;
	[tilespmem:$0x1D880] =	vst v63  }
0x2e: {  	_ = 	snop  }
0x2f: {  	[tilespmem:s21], [sflag:$0x3] =	stream.indirect.gather [hbm4b:s5+s16], $0x80, s20, s16, $0xb8;
	[tilespmem:$0x1D880] =	vst v63  }
0x30: {  	s10 =	simm.s32 $0x180  }
0x31: {  	[tilespmem:s22], [sflag:$0x4] =	stream.indirect.gather [hbm4b:s5+s16], $0x80, s10, s16, $0xb8;
	[tilespmem:$0x1D880] =	vst v63  }
0x32: {  	_ =	swait.ge [sflag:s23], $0x2000  }
0x33: {  	[sflag:s23] =	ssyncset.done $0x0  }
0x34: {  	s11 =	simm.s32 $0x1000;
	[sflag:s23] =	ssyncadd.s32 $0xFFFFE000  }
0x35: {  	[spmem:s2] =	stream.indirect.scatter.add.f32 [tilespmem:s17], [sflag:$0x5], $0x80, s11, s16, $0xb8;
	[tilespmem:$0x1D880] =	vst v63  }
0x36: {  	_ =	swait.ge [sflag:s13], $0x2000  }
0x37: {  	[sflag:s13] =	ssyncset.done $0x0  }
0x38: {  	s12 =	simm.s32 $0x200;
	[sflag:s13] =	ssyncadd.s32 $0xFFFFE000  }
0x39: {  	[tilespmem:s17], [sflag:$0x1] =	stream.indirect.gather [hbm4b:s5+s16], $0x80, s12, s16, $0xb8;
	[tilespmem:$0x1D880] =	vst v63  }
0x3a: {  	_ =	swait.ge [sflag:s24], $0x2000  }
0x3b: {  	[sflag:s24] =	ssyncset.done $0x0  }
0x3c: {  	s14 =	simm.s32 $0x1080;
	[sflag:s24] =	ssyncadd.s32 $0xFFFFE000  }
0x3d: {  	[spmem:s2] =	stream.indirect.scatter.add.f32 [tilespmem:s19], [sflag:$0x5], $0x80, s14, s16, $0xb8;
	[tilespmem:$0x1D880] =	vst v63  }
0x3e: {  	_ =	swait.ge [sflag:s13], $0x2000  }
0x3f: {  	[sflag:s13] =	ssyncset.done $0x0  }
0x40: {  	s10 =	simm.s32 $0x280;
	[sflag:s13] =	ssyncadd.s32 $0xFFFFE000  }
0x41: {  	[tilespmem:s19], [sflag:$0x2] =	stream.indirect.gather [hbm4b:s5+s16], $0x80, s10, s16, $0xb8;
	[tilespmem:$0x1D880] =	vst v63  }
0x42: {  	_ =	swait.ge [sflag:s25], $0x2000  }
0x43: {  	[sflag:s25] =	ssyncset.done $0x0  }
0x44: {  	s11 =	simm.s32 $0x1100;
	[sflag:s25] =	ssyncadd.s32 $0xFFFFE000  }
0x45: {  	[spmem:s2] =	stream.indirect.scatter.add.f32 [tilespmem:s21], [sflag:$0x5], $0x80, s11, s16, $0xb8;
	[tilespmem:$0x1D880] =	vst v63  }
0x46: {  	_ =	swait.ge [sflag:s13], $0x2000  }
0x47: {  	[sflag:s13] =	ssyncset.done $0x0  }
0x48: {  	s12 =	simm.s32 $0x300;
	[sflag:s13] =	ssyncadd.s32 $0xFFFFE000  }
0x49: {  	[tilespmem:s21], [sflag:$0x3] =	stream.indirect.gather [hbm4b:s5+s16], $0x80, s12, s16, $0xb8;
	[tilespmem:$0x1D880] =	vst v63  }
0x4a: {  	_ =	swait.ge [sflag:s26], $0x2000  }
0x4b: {  	[sflag:s26] =	ssyncset.done $0x0  }
0x4c: {  	s14 =	simm.s32 $0x1180;
	[sflag:s26] =	ssyncadd.s32 $0xFFFFE000  }
0x4d: {  	[spmem:s2] =	stream.indirect.scatter.add.f32 [tilespmem:s22], [sflag:$0x5], $0x80, s14, s16, $0xb8;
	[tilespmem:$0x1D880] =	vst v63  }
0x4e: {  	_ =	swait.ge [sflag:s13], $0x2000  }
0x4f: {  	s9 =	simm.s32 $0x200;
	s10 =	simm.s32 $0x1000;
	[sflag:s13] =	ssyncset.done $0x0  }
.LBB2_3:
0x50: {  	s14 =	sadd.s32 $0x180, s9  }
0x51: {  	[sflag:s13] =	ssyncadd.s32 $0xFFFFE000;
	s11 =	smov.u32 s10;
	s12 =	sadd.s32 $0x800, s10  }
0x52: {  	[tilespmem:s22], [sflag:$0x4] =	stream.indirect.gather [hbm4b:s5+s16], $0x80, s14, s16, $0xb8;
	[tilespmem:$0x1D880] =	vst v63  }
0x53: {  	p1 =	sne.s32 s10, $0x3000;
	_ =	swait.ge [sflag:s23], $0x2000  }
0x54: {  	[sflag:s23] =	ssyncset.done $0x0  }
0x55: {  	s10 =	sadd.s32 $0x1000, s9;
	[sflag:s23] =	ssyncadd.s32 $0xFFFFE000  }
0x56: {  	[spmem:s2] =	stream.indirect.scatter.add.f32 [tilespmem:s17], [sflag:$0x5], $0x80, s10, s16, $0xb8;
	[tilespmem:$0x1D880] =	vst v63  }
0x57: {  	_ =	swait.ge [sflag:s13], $0x2000  }
0x58: {  	[sflag:s13] =	ssyncset.done $0x0  }
0x59: {  	s10 =	sadd.s32 $0x200, s9;
	[sflag:s13] =	ssyncadd.s32 $0xFFFFE000  }
0x5a: {  	[tilespmem:s17], [sflag:$0x1] =	stream.indirect.gather [hbm4b:s5+s16], $0x80, s10, s16, $0xb8;
	[tilespmem:$0x1D880] =	vst v63  }
0x5b: {  	_ =	swait.ge [sflag:s24], $0x2000  }
0x5c: {  	[sflag:s24] =	ssyncset.done $0x0  }
0x5d: {  	s10 =	sadd.s32 $0x1080, s9;
	[sflag:s24] =	ssyncadd.s32 $0xFFFFE000  }
0x5e: {  	[spmem:s2] =	stream.indirect.scatter.add.f32 [tilespmem:s19], [sflag:$0x5], $0x80, s10, s16, $0xb8;
	[tilespmem:$0x1D880] =	vst v63  }
0x5f: {  	_ =	swait.ge [sflag:s13], $0x2000  }
0x60: {  	[sflag:s13] =	ssyncset.done $0x0  }
0x61: {  	s10 =	sadd.s32 $0x280, s9;
	[sflag:s13] =	ssyncadd.s32 $0xFFFFE000  }
0x62: {  	[tilespmem:s19], [sflag:$0x2] =	stream.indirect.gather [hbm4b:s5+s16], $0x80, s10, s16, $0xb8;
	[tilespmem:$0x1D880] =	vst v63  }
0x63: {  	_ =	swait.ge [sflag:s25], $0x2000  }
0x64: {  	[sflag:s25] =	ssyncset.done $0x0  }
0x65: {  	s10 =	sadd.s32 $0x1100, s9;
	[sflag:s25] =	ssyncadd.s32 $0xFFFFE000  }
0x66: {  	[spmem:s2] =	stream.indirect.scatter.add.f32 [tilespmem:s21], [sflag:$0x5], $0x80, s10, s16, $0xb8;
	[tilespmem:$0x1D880] =	vst v63  }
0x67: {  	_ =	swait.ge [sflag:s13], $0x2000  }
0x68: {  	[sflag:s13] =	ssyncset.done $0x0  }
0x69: {  	s10 =	sadd.s32 $0x300, s9;
	[sflag:s13] =	ssyncadd.s32 $0xFFFFE000  }
0x6a: {  	[tilespmem:s21], [sflag:$0x3] =	stream.indirect.gather [hbm4b:s5+s16], $0x80, s10, s16, $0xb8;
	[tilespmem:$0x1D880] =	vst v63  }
0x6b: {  	_ =	swait.ge [sflag:s26], $0x2000  }
.Ltmp0:
0x6c: {  	[sflag:s26] =	ssyncset.done $0x0;
	(pc) =	sbr.rel @p1 .LBB2_3-.Ltmp0, $4  }
0x6d: {  	s9 =	sadd.s32 $0x1180, s9;
	[sflag:s26] =	ssyncadd.s32 $0xFFFFE000  }
0x6e: {  	[spmem:s2] =	stream.indirect.scatter.add.f32 [tilespmem:s22], [sflag:$0x5], $0x80, s9, s16, $0xb8;
	[tilespmem:$0x1D880] =	vst v63  }
0x6f: {  	_ =	swait.ge [sflag:s13], $0x2000  }
0x70: {  	s10 =	smov.u32 s12;
	s9 =	sshra.s32 s11, $0x2;
	[sflag:s13] =	ssyncset.done $0x0  }
0x71: {  	s10 =	sadd.s32 $0x180, s9;
	[sflag:s13] =	ssyncadd.s32 $0xFFFFE000  }
0x72: {  	[tilespmem:s22], [sflag:$0x4] =	stream.indirect.gather [hbm4b:s5+s16], $0x80, s10, s16, $0xb8;
	[tilespmem:$0x1D880] =	vst v63  }
0x73: {  	_ =	swait.ge [sflag:s23], $0x2000  }
0x74: {  	[sflag:s23] =	ssyncset.done $0x0  }
0x75: {  	s14 =	sadd.s32 $0x1000, s9;
	[sflag:s23] =	ssyncadd.s32 $0xFFFFE000  }
0x76: {  	[spmem:s2] =	stream.indirect.scatter.add.f32 [tilespmem:s17], [sflag:$0x5], $0x80, s14, s16, $0xb8;
	[tilespmem:$0x1D880] =	vst v63  }
0x77: {  	_ =	swait.ge [sflag:s13], $0x2000  }
0x78: {  	[sflag:s13] =	ssyncset.done $0x0  }
0x79: {  	s11 =	sadd.s32 $0x200, s9;
	[sflag:s13] =	ssyncadd.s32 $0xFFFFE000  }
0x7a: {  	[tilespmem:s17], [sflag:$0x1] =	stream.indirect.gather [hbm4b:s5+s16], $0x80, s11, s16, $0xb8;
	[tilespmem:$0x1D880] =	vst v63  }
0x7b: {  	_ =	swait.ge [sflag:s24], $0x2000  }
0x7c: {  	[sflag:s24] =	ssyncset.done $0x0  }
0x7d: {  	s12 =	sadd.s32 $0x1080, s9;
	[sflag:s24] =	ssyncadd.s32 $0xFFFFE000  }
0x7e: {  	[spmem:s2] =	stream.indirect.scatter.add.f32 [tilespmem:s19], [sflag:$0x5], $0x80, s12, s16, $0xb8;
	[tilespmem:$0x1D880] =	vst v63  }
0x7f: {  	_ =	swait.ge [sflag:s13], $0x2000  }
0x80: {  	[sflag:s13] =	ssyncset.done $0x0  }
0x81: {  	s14 =	sadd.s32 $0x280, s9;
	[sflag:s13] =	ssyncadd.s32 $0xFFFFE000  }
0x82: {  	[tilespmem:s19], [sflag:$0x2] =	stream.indirect.gather [hbm4b:s5+s16], $0x80, s14, s16, $0xb8;
	[tilespmem:$0x1D880] =	vst v63  }
0x83: {  	_ =	swait.ge [sflag:s25], $0x2000  }
0x84: {  	[sflag:s25] =	ssyncset.done $0x0  }
0x85: {  	s11 =	sadd.s32 $0x1100, s9;
	[sflag:s25] =	ssyncadd.s32 $0xFFFFE000  }
0x86: {  	[spmem:s2] =	stream.indirect.scatter.add.f32 [tilespmem:s21], [sflag:$0x5], $0x80, s11, s16, $0xb8;
	[tilespmem:$0x1D880] =	vst v63  }
0x87: {  	_ =	swait.ge [sflag:s13], $0x2000  }
0x88: {  	[sflag:s13] =	ssyncset.done $0x0  }
0x89: {  	s12 =	sadd.s32 $0x300, s9;
	[sflag:s13] =	ssyncadd.s32 $0xFFFFE000  }
0x8a: {  	[tilespmem:s21], [sflag:$0x3] =	stream.indirect.gather [hbm4b:s5+s16], $0x80, s12, s16, $0xb8;
	[tilespmem:$0x1D880] =	vst v63  }
0x8b: {  	_ =	swait.ge [sflag:s26], $0x2000  }
0x8c: {  	[sflag:s26] =	ssyncset.done $0x0  }
0x8d: {  	s14 =	sadd.s32 $0x1180, s9;
	[sflag:s26] =	ssyncadd.s32 $0xFFFFE000  }
0x8e: {  	[spmem:s2] =	stream.indirect.scatter.add.f32 [tilespmem:s22], [sflag:$0x5], $0x80, s14, s16, $0xb8;
	[tilespmem:$0x1D880] =	vst v63  }
0x8f: {  	_ =	swait.ge [sflag:s13], $0x2000  }
0x90: {  	[sflag:s13] =	ssyncset.done $0x0  }
0x91: {  	[sflag:s13] =	ssyncadd.s32 $0xFFFFE000  }
0x92: {  	[tilespmem:s22], [sflag:$0x4] =	stream.indirect.gather [hbm4b:s5+s16], $0x80, s28, s16, $0xb8;
	[tilespmem:$0x1D880] =	vst v63  }
0x93: {  	_ =	swait.ge [sflag:s23], $0x2000  }
0x94: {  	[sflag:s23] =	ssyncset.done $0x0  }
0x95: {  	[sflag:s23] =	ssyncadd.s32 $0xFFFFE000  }
0x96: {  	[spmem:s2] =	stream.indirect.scatter.add.f32 [tilespmem:s17], [sflag:$0x5], $0x80, s29, s16, $0xb8;
	[tilespmem:$0x1D880] =	vst v63  }
0x97: {  	_ =	swait.ge [sflag:s13], $0x2000  }
0x98: {  	[sflag:s13] =	ssyncset.done $0x0  }
0x99: {  	[sflag:s13] =	ssyncadd.s32 $0xFFFFE000  }
0x9a: {  	_ =	swait.ge [sflag:s24], $0x2000  }
0x9b: {  	[sflag:s24] =	ssyncset.done $0x0  }
0x9c: {  	[sflag:s24] =	ssyncadd.s32 $0xFFFFE000  }
0x9d: {  	[spmem:s2] =	stream.indirect.scatter.add.f32 [tilespmem:s19], [sflag:$0x5], $0x80, s30, s16, $0xb8;
	[tilespmem:$0x1D880] =	vst v63  }
0x9e: {  	_ =	swait.ge [sflag:s13], $0x2000  }
0x9f: {  	[sflag:s13] =	ssyncset.done $0x0  }
0xa0: {  	[sflag:s13] =	ssyncadd.s32 $0xFFFFE000  }
0xa1: {  	_ =	swait.ge [sflag:s25], $0x2000  }
0xa2: {  	[sflag:s25] =	ssyncset.done $0x0  }
0xa3: {  	[sflag:s25] =	ssyncadd.s32 $0xFFFFE000  }
0xa4: {  	[spmem:s2] =	stream.indirect.scatter.add.f32 [tilespmem:s21], [sflag:$0x5], $0x80, s31, s16, $0xb8;
	[tilespmem:$0x1D880] =	vst v63  }
0xa5: {  	_ =	swait.ge [sflag:s13], $0x2000  }
0xa6: {  	[sflag:s13] =	ssyncset.done $0x0  }
0xa7: {  	[sflag:s13] =	ssyncadd.s32 $0xFFFFE000  }
0xa8: {  	s4 =	sadd.s32 $0x1, s4;
	_ =	swait.ge [sflag:s26], $0x2000  }
0xa9: {  	p1 =	sne.s32 s4, $0x5;
	[sflag:s26] =	ssyncset.done $0x0  }
.Ltmp1:
0xaa: {  	[sflag:s26] =	ssyncadd.s32 $0xFFFFE000;
	(pc) =	sbr.rel @p1 .LBB2_2-.Ltmp1, $4  }
0xab: {  	[spmem:s2] =	stream.indirect.scatter.add.f32 [tilespmem:s22], [sflag:$0x5], $0x80, s0, s16, $0xb8;
	[tilespmem:$0x1D880] =	vst v63  }
0xac: {  	_ =	swait.ge [sflag:s13], $0x2000  }
0xad: {  	[sflag:s13] =	ssyncset.done $0x0  }
0xae: {  	[sflag:s13] =	ssyncadd.s32 $0xFFFFE000  }
0xaf: {  	[bflag:$0x0] =	sbarrier.arrive $0xFFFF  }
0xb0: {  	s4 =	rddreg [dreg:$0x4]  }
0xb1: {  	s10 =	rddreg [dreg:$0x7]  }
0xb2: {  	[hbm:s4], [sflag:s7] =	dma.local [spmem:s10], $0x2700  }
0xb3: {  	_ =	swait.ge [sflag:s13], $0x2700  }
0xb4: {  	[sflag:s13] =	ssyncset.done $0x0;
	s4 =	rddreg [dreg:$0x5]  }
0xb5: {  	s11 =	rddreg [dreg:$0x8];
	[sflag:s13] =	ssyncadd.s32 $0xFFFFD900  }
0xb6: {  	[hbm:s4], [sflag:s7] =	dma.local @!p0 [spmem:s11], $0x100  }
0xb7: {  	s4 =	simm.s32 @!p0 $0x5  }
0xb8: {  	_ =	swait.ge @!p0 [sflag:s4], $0x100  }
0xb9: {  	s3 =	sadd.s32 $0x1, s3;
	s9 =	rddreg [dreg:$0x6]  }
0xba: {  	p1 =	sne.s32 s3, s9  }
.Ltmp2:
0xbb: {  	_ = 	snop;
	(pc) =	sbr.rel @p1 .LBB2_1-.Ltmp2, $3  }
0xbc: {  	_ =	sdelay $0x1  }
0xbd: {  	[sflag:s4] =	ssyncset.done @!p0 $0x0  }
0xbe: {  	[sflag:s4] =	ssyncadd.s32 @!p0 $0xFFFFFF00  }
0xbf: {  	_ =	sfence.sel $0x180000  }
0xc0: {  	[bflag:$0x0] =	sbarrier.arrive $0xFFFF  }
0xc1: {  	_ =	strace $0x9000004A  }
0xc2: {  	s0 =	stileid.u32;
	[bflag:$0x2] =	sbarrier.arrive $0xFFFF  }
0xc3: {  	p0 =	sne.s32 s0, $0x0;
	s0 =	rddreg [dreg:$0x3]  }
0xc4: {  	s0 =	sadd.s32 @!p0 $0x100000, s0  }
0xc5: {  	[sflag:s0] =	ssyncadd.tile.s32 @!p0 $0x1;
	_ =	shalt  }
.Lfunc_end2:
_tile_overlayer_lowered:
.L_overlay_start_2:
0xc6: {  	(tag) =	ssettag $0x2  }
0xc7: {  	s0 =	rddreg [dreg:$0x0];
	s2 =	stileid.u32  }
0xc8: {  	s1 =	rddreg [dreg:$0x1];
	p0 =	sne.s32 s2, $0x0  }
0xc9: {  	s3 =	rddreg [dreg:$0x2];
	[bflag:$0x3] =	sbarrier.arrive $0xFFFF;
	s2 =	simm.s32 @!p0 $0x1C05  }
0xca: {  	[timem:s3], [sflag:s2] =	dma.local @!p0 [hbm:s0], s1  }
0xcb: {  	s0 =	simm.s32 @!p0 $0x5  }
0xcc: {  	_ =	swait.ge @!p0 [sflag:s0], s1  }
0xcd: {  	s1 =	ssub.s32 @!p0 $0x0, s1;
	[sflag:s0] =	ssyncset.done @!p0 $0x0  }
0xce: {  	[sflag:s0] =	ssyncadd.s32 @!p0 s1  }
0xcf: {  	[bflag:$0x3] =	sbarrier.arrive $0xFFFF  }
0xd0: {  	_ =	shalt  }

</sc_bundles>
